<compile_context>
chip_gen: v7x
topology: tpu7x:2x2x1
jax: 0.10.2.dev20260603
libtpu: 0.0.44.dev20260713+nightly
codegen_flags: <defaults>
</compile_context>

<pallas_src>
import functools

import jax
import jax.numpy as jnp
from jax import lax
from jax.experimental import pallas as pl
from jax.experimental.pallas import tpu as pltpu
from jax.experimental.pallas import tpu_sc as plsc

_B, _C, _H, _W = 2, 96, 224, 112
_HO, _WO = 224, 224
_PLANE = _HO * _WO
_HW = _H * _W
_NC, _NS, _L = 2, 16, 16
_NW = _NC * _NS
_P = _B * _C
_PPW = _P // _NW
_UZ = 16
_SUBL = _PLANE // 128

_mesh = plsc.VectorSubcoreMesh(core_axis_name="c", subcore_axis_name="s")


@functools.partial(
    pl.kernel,
    mesh=_mesh,
    out_type=jax.ShapeDtypeStruct((_B * 2 * _C * _PLANE,), jnp.float32),
    scratch_types=[
        pltpu.VMEM((_H, _W), jnp.float32),
        pltpu.VMEM((_H, _W), jnp.int32),
        pltpu.VMEM((_PLANE,), jnp.float32),
        pltpu.SemaphoreType.DMA,
        pltpu.SemaphoreType.DMA,
    ],
    compiler_params=pltpu.CompilerParams(needs_layout_passes=False),
)
def _sc_unpool(x_hbm, idx_hbm, out_hbm, x_v, idx_v, out_v, sem_in, sem_out):
    wid = lax.axis_index("s") * _NC + lax.axis_index("c")

    def zero_body(i, carry):
        base = i * (_L * _UZ)
        for u in range(_UZ):
            out_v[pl.ds(base + u * _L, _L)] = jnp.zeros((_L,), jnp.float32)
        return carry

    def scatter_body(h, carry):
        ivs = [idx_v[h, pl.ds(u * _L, _L)] for u in range(_W // _L)]
        xvs = [x_v[h, pl.ds(u * _L, _L)] for u in range(_W // _L)]
        for u in range(_W // _L):
            plsc.store_scatter(out_v, [ivs[u]], xvs[u])
        return carry

    def issue_loads(j):
        p = wid * _PPW + j
        b = p // _C
        c = p - b * _C
        hx = pltpu.async_copy(x_hbm.at[b, c], x_v, sem_in)
        hi = pltpu.async_copy(idx_hbm.at[b, c], idx_v, sem_in)
        return hx, hi

    out_handle = None
    loads = issue_loads(0)
    for j in range(_PPW):
        p = wid * _PPW + j
        b = p // _C
        c = p - b * _C
        row_u = b * (2 * _C) + c

        if out_handle is not None:
            out_handle.wait()
        lax.fori_loop(0, _PLANE // (_L * _UZ), zero_body, 0)
        hx, hi = loads
        hx.wait()
        hi.wait()
        lax.fori_loop(0, _H, scatter_body, 0)
        out_handle = pltpu.async_copy(
            out_v, out_hbm.at[pl.ds(row_u * _PLANE, _PLANE)], sem_out)
        if j + 1 < _PPW:
            loads = issue_loads(j + 1)
    out_handle.wait()


_CB = 16


def _tc_pre_body(pre_ref, alias_ref, out_ref):
    del alias_ref
    out_ref[...] = pre_ref[...]


_tc_pre = pl.pallas_call(
    _tc_pre_body,
    grid=(_B, _C // _CB),
    in_specs=[
        pl.BlockSpec((1, _CB, _HO, _WO), lambda b, j: (b, j, 0, 0)),
        pl.BlockSpec(memory_space=pl.ANY),
    ],
    out_specs=pl.BlockSpec(
        (1, _CB, _HO, _WO), lambda b, j: (b, _C // _CB + j, 0, 0)),
    out_shape=jax.ShapeDtypeStruct((_B, 2 * _C, _HO, _WO), jnp.float32),
    input_output_aliases={1: 0},
)


def kernel(x, indices, pre_x):
    B, C = x.shape[0], x.shape[1]
    scattered = _sc_unpool(x, indices.astype(jnp.int32))
    return _tc_pre(pre_x, scattered.reshape(B, 2 * C, _HO, _WO))

# --- scband reference (transcript-rebuilt; emitter-appended) ---
"""Pipeline reference for scband-unpool-910533067212 (READ-ONLY COPY).

The authoritative reference and input builder live on the scoring server;
editing this copy changes nothing except your own understanding.
"""

import jax, jax.numpy as jnp
import numpy as np


def setup_inputs(seed: int = 0) -> dict:
    key = jax.random.key(seed)
    k1, k2 = jax.random.split(key)
    B, C, H, W = 2, 96, 224, 112
    Ho, Wo = 224, 224
    x = jax.random.normal(k1, (B, C, H, W), dtype=jnp.float32)
    pre_x = jax.random.normal(k2, (B, C, Ho, Wo), dtype=jnp.float32)
    # MaxPool2d(kernel=(1,2),stride=(1,2))-style indices: input (h,w) came from output (h, 2w)
    hh = jnp.arange(H, dtype=jnp.int32).reshape(H, 1)
    ww = jnp.arange(W, dtype=jnp.int32).reshape(1, W)
    idx = hh * Wo + 2 * ww  # flat index into [Ho*Wo], per (b,c) plane
    indices = jnp.broadcast_to(idx, (B, C, H, W)).astype(jnp.int32)
    return {"x": x, "indices": indices, "pre_x": pre_x}


def reference(x, indices, pre_x):
    # MaxUnpool2d(kernel=(1,2), stride=(1,2)) with output_size = pre_x.shape,
    # followed by channel concat (skip connection), faithful to the torch module.
    B, C, H, W = x.shape
    Ho, Wo = pre_x.shape[2], pre_x.shape[3]
    plane = Ho * Wo
    base = (jnp.arange(B * C, dtype=jnp.int32) * plane).reshape(B, C, 1)
    flat_idx = indices.reshape(B, C, H * W).astype(jnp.int32) + base
    out_flat = jnp.zeros((B * C * plane,), dtype=x.dtype)
    out_flat = out_flat.at[flat_idx.reshape(-1)].set(x.reshape(-1))
    unpooled = out_flat.reshape(B, C, Ho, Wo)
    result = jnp.concatenate([unpooled, pre_x], axis=1)
    return result

if __name__ == "__main__":
    import jax
    _d = setup_inputs()
    print(jax.jit(kernel)(*tuple(_d.values())))

</pallas_src>

<mosaic_0001>
#map = affine_map<(d0, d1) -> (0, 0, 0, 0)>
#map1 = affine_map<(d0, d1) -> (0)>
module attributes {stable_mosaic.version = 14 : i64} {
  func.func @_sc_unpool(%arg0: i32, %arg1: i32, %arg2: memref<2x96x224x112xf32, #tpu.memory_space<hbm>>, %arg3: memref<2x96x224x112xi32, #tpu.memory_space<hbm>>, %arg4: memref<19267584xf32, #tpu.memory_space<hbm>>, %arg5: memref<224x112xf32, #tpu.memory_space<vmem>>, %arg6: memref<224x112xi32, #tpu.memory_space<vmem>>, %arg7: memref<50176xf32, #tpu.memory_space<vmem>>, %arg8: memref<!tpu.dma_semaphore, #tpu.memory_space<semaphore_mem>>, %arg9: memref<!tpu.dma_semaphore, #tpu.memory_space<semaphore_mem>>) attributes {dimension_semantics = [#tpu.dimension_semantics<core_parallel>, #tpu.dimension_semantics<subcore_parallel>], iteration_bounds = array<i64: 2, 16>, scalar_prefetch = 0 : i64, scratch_operands = 5 : i64, tpu.core_type = #tpu.core_type<sc_vector_subcore>, window_params = [{transform_indices = #map}, {transform_indices = #map}, {transform_indices = #map1}]} {
    %mul3A = arith.constant 2 : i32
    %mul3A_0 = arith.muli %arg1, %mul3A : i32
    %add3A = arith.addi %mul3A_0, %arg0 : i32
    %mul3A_1 = arith.constant 6 : i32
    %mul3A_2 = arith.muli %add3A, %mul3A_1 : i32
    %add3A_3 = arith.constant 0 : i32
    %add3A_4 = arith.addi %mul3A_2, %add3A_3 : i32
    %jit3A = arith.constant 96 : i32
    %div3A = arith.divsi %add3A_4, %jit3A : i32
    %sign3A = arith.constant 0 : i32
    %sign3A_5 = arith.cmpi sgt, %add3A_4, %sign3A : i32
    %sign3A_6 = arith.extui %sign3A_5 : i1 to i32
    %sign3A_7 = arith.constant 0 : i32
    %sign3A_8 = arith.cmpi slt, %add3A_4, %sign3A_7 : i32
    %sign3A_9 = arith.extui %sign3A_8 : i1 to i32
    %sign3A_10 = arith.subi %sign3A_6, %sign3A_9 : i32
    %sign3A_11 = arith.constant 0 : i32
    %sign3A_12 = arith.cmpi sgt, %jit3A, %sign3A_11 : i32
    %sign3A_13 = arith.extui %sign3A_12 : i1 to i32
    %sign3A_14 = arith.constant 0 : i32
    %sign3A_15 = arith.cmpi slt, %jit3A, %sign3A_14 : i32
    %sign3A_16 = arith.extui %sign3A_15 : i1 to i32
    %sign3A_17 = arith.subi %sign3A_13, %sign3A_16 : i32
    %ne3A = arith.cmpi ne, %sign3A_10, %sign3A_17 : i32
    %rem3A = arith.remsi %add3A_4, %jit3A : i32
    %ne3A_18 = arith.constant 0 : i32
    %ne3A_19 = arith.cmpi ne, %rem3A, %ne3A_18 : i32
    %and3A = arith.andi %ne3A, %ne3A_19 : i1
    %sub3A = arith.constant 1 : i32
    %sub3A_20 = arith.subi %div3A, %sub3A : i32
    %select_n3A = arith.select %and3A, %sub3A_20, %div3A : i32
    %mul3A_21 = arith.constant 96 : i32
    %mul3A_22 = arith.muli %select_n3A, %mul3A_21 : i32
    %sub3A_23 = arith.subi %add3A_4, %mul3A_22 : i32
    %dma_start3A = arith.constant 0 : i32
    %dma_start3A_24 = arith.constant 0 : i32
    %dma_start3A_25 = tpu.memref_slice %arg2[%select_n3A, %sub3A_23, %dma_start3A, %dma_start3A_24] : memref<2x96x224x112xf32, #tpu.memory_space<hbm>> -> memref<1x1x224x112xf32, #tpu.memory_space<hbm>>
    %dma_start3A_26 = tpu.memref_squeeze %dma_start3A_25 : memref<1x1x224x112xf32, #tpu.memory_space<hbm>> -> memref<224x112xf32, #tpu.memory_space<hbm>>
    %dma_start3A_27 = arith.constant 0 : i32
    %dma_start3A_28 = arith.constant 0 : i32
    %dma_start3A_29 = tpu.memref_slice %arg2[%select_n3A, %sub3A_23, %dma_start3A_27, %dma_start3A_28] : memref<2x96x224x112xf32, #tpu.memory_space<hbm>> -> memref<1x1x224x112xf32, #tpu.memory_space<hbm>>
    %dma_start3A_30 = tpu.memref_squeeze %dma_start3A_29 : memref<1x1x224x112xf32, #tpu.memory_space<hbm>> -> memref<224x112xf32, #tpu.memory_space<hbm>>
    tpu.enqueue_dma source(%dma_start3A_30 : memref<224x112xf32, #tpu.memory_space<hbm>>) target(%arg5 : memref<224x112xf32, #tpu.memory_space<vmem>>) target_semaphore(%arg8 : memref<!tpu.dma_semaphore, #tpu.memory_space<semaphore_mem>>)
    %dma_start3A_31 = arith.constant 0 : i32
    %dma_start3A_32 = arith.constant 0 : i32
    %dma_start3A_33 = tpu.memref_slice %arg3[%select_n3A, %sub3A_23, %dma_start3A_31, %dma_start3A_32] : memref<2x96x224x112xi32, #tpu.memory_space<hbm>> -> memref<1x1x224x112xi32, #tpu.memory_space<hbm>>
    %dma_start3A_34 = tpu.memref_squeeze %dma_start3A_33 : memref<1x1x224x112xi32, #tpu.memory_space<hbm>> -> memref<224x112xi32, #tpu.memory_space<hbm>>
    %dma_start3A_35 = arith.constant 0 : i32
    %dma_start3A_36 = arith.constant 0 : i32
    %dma_start3A_37 = tpu.memref_slice %arg3[%select_n3A, %sub3A_23, %dma_start3A_35, %dma_start3A_36] : memref<2x96x224x112xi32, #tpu.memory_space<hbm>> -> memref<1x1x224x112xi32, #tpu.memory_space<hbm>>
    %dma_start3A_38 = tpu.memref_squeeze %dma_start3A_37 : memref<1x1x224x112xi32, #tpu.memory_space<hbm>> -> memref<224x112xi32, #tpu.memory_space<hbm>>
    tpu.enqueue_dma source(%dma_start3A_38 : memref<224x112xi32, #tpu.memory_space<hbm>>) target(%arg6 : memref<224x112xi32, #tpu.memory_space<vmem>>) target_semaphore(%arg8 : memref<!tpu.dma_semaphore, #tpu.memory_space<semaphore_mem>>)
    %mul3A_39 = arith.constant 6 : i32
    %mul3A_40 = arith.muli %add3A, %mul3A_39 : i32
    %add3A_41 = arith.constant 0 : i32
    %add3A_42 = arith.addi %mul3A_40, %add3A_41 : i32
    %jit3A_43 = arith.constant 96 : i32
    %div3A_44 = arith.divsi %add3A_42, %jit3A_43 : i32
    %sign3A_45 = arith.constant 0 : i32
    %sign3A_46 = arith.cmpi sgt, %add3A_42, %sign3A_45 : i32
    %sign3A_47 = arith.extui %sign3A_46 : i1 to i32
    %sign3A_48 = arith.constant 0 : i32
    %sign3A_49 = arith.cmpi slt, %add3A_42, %sign3A_48 : i32
    %sign3A_50 = arith.extui %sign3A_49 : i1 to i32
    %sign3A_51 = arith.subi %sign3A_47, %sign3A_50 : i32
    %sign3A_52 = arith.constant 0 : i32
    %sign3A_53 = arith.cmpi sgt, %jit3A_43, %sign3A_52 : i32
    %sign3A_54 = arith.extui %sign3A_53 : i1 to i32
    %sign3A_55 = arith.constant 0 : i32
    %sign3A_56 = arith.cmpi slt, %jit3A_43, %sign3A_55 : i32
    %sign3A_57 = arith.extui %sign3A_56 : i1 to i32
    %sign3A_58 = arith.subi %sign3A_54, %sign3A_57 : i32
    %ne3A_59 = arith.cmpi ne, %sign3A_51, %sign3A_58 : i32
    %rem3A_60 = arith.remsi %add3A_42, %jit3A_43 : i32
    %ne3A_61 = arith.constant 0 : i32
    %ne3A_62 = arith.cmpi ne, %rem3A_60, %ne3A_61 : i32
    %and3A_63 = arith.andi %ne3A_59, %ne3A_62 : i1
    %sub3A_64 = arith.constant 1 : i32
    %sub3A_65 = arith.subi %div3A_44, %sub3A_64 : i32
    %select_n3A_66 = arith.select %and3A_63, %sub3A_65, %div3A_44 : i32
    %mul3A_67 = arith.constant 96 : i32
    %mul3A_68 = arith.muli %select_n3A_66, %mul3A_67 : i32
    %sub3A_69 = arith.subi %add3A_42, %mul3A_68 : i32
    %mul3A_70 = arith.constant 192 : i32
    %mul3A_71 = arith.muli %select_n3A_66, %mul3A_70 : i32
    %add3A_72 = arith.addi %mul3A_71, %sub3A_69 : i32
    %scan3A = arith.constant 0 : i32
    %scan3A_73 = arith.constant 0 : i32
    %scan3A_74 = arith.constant 196 : i32
    %scan3A_75 = arith.addi %scan3A_73, %scan3A_74 : i32
    %scan3A_76 = arith.constant 1 : i32
    scf.for %scan3A_680 = %scan3A_73 to %scan3A_75 step %scan3A_76  : i32 {
      %mul3A_681 = arith.constant 256 : i32
      %mul3A_682 = arith.muli %scan3A_680, %mul3A_681 : i32
      %broadcast_in_dim3A = arith.constant 0.000000e+00 : f32
      %broadcast_in_dim3A_683 = vector.broadcast %broadcast_in_dim3A : f32 to vector<16xf32>
      %add3A_684 = arith.constant 0 : i32
      %add3A_685 = arith.addi %mul3A_682, %add3A_684 : i32
      %swap3A = arith.index_cast %add3A_685 : i32 to index
      %swap3A_686 = tpu.vector_load %arg7[%swap3A] {strides = array<i32>} : memref<50176xf32, #tpu.memory_space<vmem>>, vector<16xf32>,
      tpu.vector_store %arg7[%swap3A], %broadcast_in_dim3A_683 {strides = array<i32>} : memref<50176xf32, #tpu.memory_space<vmem>>, vector<16xf32>,
      %broadcast_in_dim3A_687 = arith.constant 0.000000e+00 : f32
      %broadcast_in_dim3A_688 = vector.broadcast %broadcast_in_dim3A_687 : f32 to vector<16xf32>
      %add3A_689 = arith.constant 16 : i32
      %add3A_690 = arith.addi %mul3A_682, %add3A_689 : i32
      %swap3A_691 = arith.index_cast %add3A_690 : i32 to index
      %swap3A_692 = tpu.vector_load %arg7[%swap3A_691] {strides = array<i32>} : memref<50176xf32, #tpu.memory_space<vmem>>, vector<16xf32>,
      tpu.vector_store %arg7[%swap3A_691], %broadcast_in_dim3A_688 {strides = array<i32>} : memref<50176xf32, #tpu.memory_space<vmem>>, vector<16xf32>,
      %broadcast_in_dim3A_693 = arith.constant 0.000000e+00 : f32
      %broadcast_in_dim3A_694 = vector.broadcast %broadcast_in_dim3A_693 : f32 to vector<16xf32>
      %add3A_695 = arith.constant 32 : i32
      %add3A_696 = arith.addi %mul3A_682, %add3A_695 : i32
      %swap3A_697 = arith.index_cast %add3A_696 : i32 to index
      %swap3A_698 = tpu.vector_load %arg7[%swap3A_697] {strides = array<i32>} : memref<50176xf32, #tpu.memory_space<vmem>>, vector<16xf32>,
      tpu.vector_store %arg7[%swap3A_697], %broadcast_in_dim3A_694 {strides = array<i32>} : memref<50176xf32, #tpu.memory_space<vmem>>, vector<16xf32>,
      %broadcast_in_dim3A_699 = arith.constant 0.000000e+00 : f32
      %broadcast_in_dim3A_700 = vector.broadcast %broadcast_in_dim3A_699 : f32 to vector<16xf32>
      %add3A_701 = arith.constant 48 : i32
      %add3A_702 = arith.addi %mul3A_682, %add3A_701 : i32
      %swap3A_703 = arith.index_cast %add3A_702 : i32 to index
      %swap3A_704 = tpu.vector_load %arg7[%swap3A_703] {strides = array<i32>} : memref<50176xf32, #tpu.memory_space<vmem>>, vector<16xf32>,
      tpu.vector_store %arg7[%swap3A_703], %broadcast_in_dim3A_700 {strides = array<i32>} : memref<50176xf32, #tpu.memory_space<vmem>>, vector<16xf32>,
      %broadcast_in_dim3A_705 = arith.constant 0.000000e+00 : f32
      %broadcast_in_dim3A_706 = vector.broadcast %broadcast_in_dim3A_705 : f32 to vector<16xf32>
      %add3A_707 = arith.constant 64 : i32
      %add3A_708 = arith.addi %mul3A_682, %add3A_707 : i32
      %swap3A_709 = arith.index_cast %add3A_708 : i32 to index
      %swap3A_710 = tpu.vector_load %arg7[%swap3A_709] {strides = array<i32>} : memref<50176xf32, #tpu.memory_space<vmem>>, vector<16xf32>,
      tpu.vector_store %arg7[%swap3A_709], %broadcast_in_dim3A_706 {strides = array<i32>} : memref<50176xf32, #tpu.memory_space<vmem>>, vector<16xf32>,
      %broadcast_in_dim3A_711 = arith.constant 0.000000e+00 : f32
      %broadcast_in_dim3A_712 = vector.broadcast %broadcast_in_dim3A_711 : f32 to vector<16xf32>
      %add3A_713 = arith.constant 80 : i32
      %add3A_714 = arith.addi %mul3A_682, %add3A_713 : i32
      %swap3A_715 = arith.index_cast %add3A_714 : i32 to index
      %swap3A_716 = tpu.vector_load %arg7[%swap3A_715] {strides = array<i32>} : memref<50176xf32, #tpu.memory_space<vmem>>, vector<16xf32>,
      tpu.vector_store %arg7[%swap3A_715], %broadcast_in_dim3A_712 {strides = array<i32>} : memref<50176xf32, #tpu.memory_space<vmem>>, vector<16xf32>,
      %broadcast_in_dim3A_717 = arith.constant 0.000000e+00 : f32
      %broadcast_in_dim3A_718 = vector.broadcast %broadcast_in_dim3A_717 : f32 to vector<16xf32>
      %add3A_719 = arith.constant 96 : i32
      %add3A_720 = arith.addi %mul3A_682, %add3A_719 : i32
      %swap3A_721 = arith.index_cast %add3A_720 : i32 to index
      %swap3A_722 = tpu.vector_load %arg7[%swap3A_721] {strides = array<i32>} : memref<50176xf32, #tpu.memory_space<vmem>>, vector<16xf32>,
      tpu.vector_store %arg7[%swap3A_721], %broadcast_in_dim3A_718 {strides = array<i32>} : memref<50176xf32, #tpu.memory_space<vmem>>, vector<16xf32>,
      %broadcast_in_dim3A_723 = arith.constant 0.000000e+00 : f32
      %broadcast_in_dim3A_724 = vector.broadcast %broadcast_in_dim3A_723 : f32 to vector<16xf32>
      %add3A_725 = arith.constant 112 : i32
      %add3A_726 = arith.addi %mul3A_682, %add3A_725 : i32
      %swap3A_727 = arith.index_cast %add3A_726 : i32 to index
      %swap3A_728 = tpu.vector_load %arg7[%swap3A_727] {strides = array<i32>} : memref<50176xf32, #tpu.memory_space<vmem>>, vector<16xf32>,
      tpu.vector_store %arg7[%swap3A_727], %broadcast_in_dim3A_724 {strides = array<i32>} : memref<50176xf32, #tpu.memory_space<vmem>>, vector<16xf32>,
      %broadcast_in_dim3A_729 = arith.constant 0.000000e+00 : f32
      %broadcast_in_dim3A_730 = vector.broadcast %broadcast_in_dim3A_729 : f32 to vector<16xf32>
      %add3A_731 = arith.constant 128 : i32
      %add3A_732 = arith.addi %mul3A_682, %add3A_731 : i32
      %swap3A_733 = arith.index_cast %add3A_732 : i32 to index
      %swap3A_734 = tpu.vector_load %arg7[%swap3A_733] {strides = array<i32>} : memref<50176xf32, #tpu.memory_space<vmem>>, vector<16xf32>,
      tpu.vector_store %arg7[%swap3A_733], %broadcast_in_dim3A_730 {strides = array<i32>} : memref<50176xf32, #tpu.memory_space<vmem>>, vector<16xf32>,
      %broadcast_in_dim3A_735 = arith.constant 0.000000e+00 : f32
      %broadcast_in_dim3A_736 = vector.broadcast %broadcast_in_dim3A_735 : f32 to vector<16xf32>
      %add3A_737 = arith.constant 144 : i32
      %add3A_738 = arith.addi %mul3A_682, %add3A_737 : i32
      %swap3A_739 = arith.index_cast %add3A_738 : i32 to index
      %swap3A_740 = tpu.vector_load %arg7[%swap3A_739] {strides = array<i32>} : memref<50176xf32, #tpu.memory_space<vmem>>, vector<16xf32>,
      tpu.vector_store %arg7[%swap3A_739], %broadcast_in_dim3A_736 {strides = array<i32>} : memref<50176xf32, #tpu.memory_space<vmem>>, vector<16xf32>,
      %broadcast_in_dim3A_741 = arith.constant 0.000000e+00 : f32
      %broadcast_in_dim3A_742 = vector.broadcast %broadcast_in_dim3A_741 : f32 to vector<16xf32>
      %add3A_743 = arith.constant 160 : i32
      %add3A_744 = arith.addi %mul3A_682, %add3A_743 : i32
      %swap3A_745 = arith.index_cast %add3A_744 : i32 to index
      %swap3A_746 = tpu.vector_load %arg7[%swap3A_745] {strides = array<i32>} : memref<50176xf32, #tpu.memory_space<vmem>>, vector<16xf32>,
      tpu.vector_store %arg7[%swap3A_745], %broadcast_in_dim3A_742 {strides = array<i32>} : memref<50176xf32, #tpu.memory_space<vmem>>, vector<16xf32>,
      %broadcast_in_dim3A_747 = arith.constant 0.000000e+00 : f32
      %broadcast_in_dim3A_748 = vector.broadcast %broadcast_in_dim3A_747 : f32 to vector<16xf32>
      %add3A_749 = arith.constant 176 : i32
      %add3A_750 = arith.addi %mul3A_682, %add3A_749 : i32
      %swap3A_751 = arith.index_cast %add3A_750 : i32 to index
      %swap3A_752 = tpu.vector_load %arg7[%swap3A_751] {strides = array<i32>} : memref<50176xf32, #tpu.memory_space<vmem>>, vector<16xf32>,
      tpu.vector_store %arg7[%swap3A_751], %broadcast_in_dim3A_748 {strides = array<i32>} : memref<50176xf32, #tpu.memory_space<vmem>>, vector<16xf32>,
      %broadcast_in_dim3A_753 = arith.constant 0.000000e+00 : f32
      %broadcast_in_dim3A_754 = vector.broadcast %broadcast_in_dim3A_753 : f32 to vector<16xf32>
      %add3A_755 = arith.constant 192 : i32
      %add3A_756 = arith.addi %mul3A_682, %add3A_755 : i32
      %swap3A_757 = arith.index_cast %add3A_756 : i32 to index
      %swap3A_758 = tpu.vector_load %arg7[%swap3A_757] {strides = array<i32>} : memref<50176xf32, #tpu.memory_space<vmem>>, vector<16xf32>,
      tpu.vector_store %arg7[%swap3A_757], %broadcast_in_dim3A_754 {strides = array<i32>} : memref<50176xf32, #tpu.memory_space<vmem>>, vector<16xf32>,
      %broadcast_in_dim3A_759 = arith.constant 0.000000e+00 : f32
      %broadcast_in_dim3A_760 = vector.broadcast %broadcast_in_dim3A_759 : f32 to vector<16xf32>
      %add3A_761 = arith.constant 208 : i32
      %add3A_762 = arith.addi %mul3A_682, %add3A_761 : i32
      %swap3A_763 = arith.index_cast %add3A_762 : i32 to index
      %swap3A_764 = tpu.vector_load %arg7[%swap3A_763] {strides = array<i32>} : memref<50176xf32, #tpu.memory_space<vmem>>, vector<16xf32>,
      tpu.vector_store %arg7[%swap3A_763], %broadcast_in_dim3A_760 {strides = array<i32>} : memref<50176xf32, #tpu.memory_space<vmem>>, vector<16xf32>,
      %broadcast_in_dim3A_765 = arith.constant 0.000000e+00 : f32
      %broadcast_in_dim3A_766 = vector.broadcast %broadcast_in_dim3A_765 : f32 to vector<16xf32>
      %add3A_767 = arith.constant 224 : i32
      %add3A_768 = arith.addi %mul3A_682, %add3A_767 : i32
      %swap3A_769 = arith.index_cast %add3A_768 : i32 to index
      %swap3A_770 = tpu.vector_load %arg7[%swap3A_769] {strides = array<i32>} : memref<50176xf32, #tpu.memory_space<vmem>>, vector<16xf32>,
      tpu.vector_store %arg7[%swap3A_769], %broadcast_in_dim3A_766 {strides = array<i32>} : memref<50176xf32, #tpu.memory_space<vmem>>, vector<16xf32>,
      %broadcast_in_dim3A_771 = arith.constant 0.000000e+00 : f32
      %broadcast_in_dim3A_772 = vector.broadcast %broadcast_in_dim3A_771 : f32 to vector<16xf32>
      %add3A_773 = arith.constant 240 : i32
      %add3A_774 = arith.addi %mul3A_682, %add3A_773 : i32
      %swap3A_775 = arith.index_cast %add3A_774 : i32 to index
      %swap3A_776 = tpu.vector_load %arg7[%swap3A_775] {strides = array<i32>} : memref<50176xf32, #tpu.memory_space<vmem>>, vector<16xf32>,
      tpu.vector_store %arg7[%swap3A_775], %broadcast_in_dim3A_772 {strides = array<i32>} : memref<50176xf32, #tpu.memory_space<vmem>>, vector<16xf32>,
    }
    %scan3A_77 = arith.constant 196 : i32
    %dma_wait3A = arith.constant 0 : i32
    %dma_wait3A_78 = arith.constant 0 : i32
    %dma_wait3A_79 = tpu.memref_slice %arg2[%select_n3A, %sub3A_23, %dma_wait3A, %dma_wait3A_78] : memref<2x96x224x112xf32, #tpu.memory_space<hbm>> -> memref<1x1x224x112xf32, #tpu.memory_space<hbm>>
    %dma_wait3A_80 = tpu.memref_squeeze %dma_wait3A_79 : memref<1x1x224x112xf32, #tpu.memory_space<hbm>> -> memref<224x112xf32, #tpu.memory_space<hbm>>
    %dma_wait3A_81 = arith.constant 0 : i32
    %dma_wait3A_82 = arith.constant 0 : i32
    %dma_wait3A_83 = tpu.memref_slice %arg2[%select_n3A, %sub3A_23, %dma_wait3A_81, %dma_wait3A_82] : memref<2x96x224x112xf32, #tpu.memory_space<hbm>> -> memref<1x1x224x112xf32, #tpu.memory_space<hbm>>
    %dma_wait3A_84 = tpu.memref_squeeze %dma_wait3A_83 : memref<1x1x224x112xf32, #tpu.memory_space<hbm>> -> memref<224x112xf32, #tpu.memory_space<hbm>>
    tpu.wait_dma2 semaphore(%arg8 : memref<!tpu.dma_semaphore, #tpu.memory_space<semaphore_mem>>) src(%dma_wait3A_84 : memref<224x112xf32, #tpu.memory_space<hbm>>) dst(%arg5 : memref<224x112xf32, #tpu.memory_space<vmem>>)
    %dma_wait3A_85 = arith.constant 0 : i32
    %dma_wait3A_86 = arith.constant 0 : i32
    %dma_wait3A_87 = tpu.memref_slice %arg3[%select_n3A, %sub3A_23, %dma_wait3A_85, %dma_wait3A_86] : memref<2x96x224x112xi32, #tpu.memory_space<hbm>> -> memref<1x1x224x112xi32, #tpu.memory_space<hbm>>
    %dma_wait3A_88 = tpu.memref_squeeze %dma_wait3A_87 : memref<1x1x224x112xi32, #tpu.memory_space<hbm>> -> memref<224x112xi32, #tpu.memory_space<hbm>>
    %dma_wait3A_89 = arith.constant 0 : i32
    %dma_wait3A_90 = arith.constant 0 : i32
    %dma_wait3A_91 = tpu.memref_slice %arg3[%select_n3A, %sub3A_23, %dma_wait3A_89, %dma_wait3A_90] : memref<2x96x224x112xi32, #tpu.memory_space<hbm>> -> memref<1x1x224x112xi32, #tpu.memory_space<hbm>>
    %dma_wait3A_92 = tpu.memref_squeeze %dma_wait3A_91 : memref<1x1x224x112xi32, #tpu.memory_space<hbm>> -> memref<224x112xi32, #tpu.memory_space<hbm>>
    tpu.wait_dma2 semaphore(%arg8 : memref<!tpu.dma_semaphore, #tpu.memory_space<semaphore_mem>>) src(%dma_wait3A_92 : memref<224x112xi32, #tpu.memory_space<hbm>>) dst(%arg6 : memref<224x112xi32, #tpu.memory_space<vmem>>)
    %scan3A_93 = arith.constant 0 : i32
    %scan3A_94 = arith.constant 0 : i32
    %scan3A_95 = arith.constant 224 : i32
    %scan3A_96 = arith.addi %scan3A_94, %scan3A_95 : i32
    %scan3A_97 = arith.constant 1 : i32
    scf.for %scan3A_680 = %scan3A_94 to %scan3A_96 step %scan3A_97  : i32 {
      %get3A = arith.index_cast %scan3A_680 : i32 to index
      %get3A_681 = arith.constant 0 : index
      %get3A_682 = tpu.vector_load %arg6[%get3A, %get3A_681] {strides = array<i32>} : memref<224x112xi32, #tpu.memory_space<vmem>>, vector<16xi32>,
      %get3A_683 = arith.index_cast %scan3A_680 : i32 to index
      %get3A_684 = arith.constant 16 : index
      %get3A_685 = tpu.vector_load %arg6[%get3A_683, %get3A_684] {strides = array<i32>} : memref<224x112xi32, #tpu.memory_space<vmem>>, vector<16xi32>,
      %get3A_686 = arith.index_cast %scan3A_680 : i32 to index
      %get3A_687 = arith.constant 32 : index
      %get3A_688 = tpu.vector_load %arg6[%get3A_686, %get3A_687] {strides = array<i32>} : memref<224x112xi32, #tpu.memory_space<vmem>>, vector<16xi32>,
      %get3A_689 = arith.index_cast %scan3A_680 : i32 to index
      %get3A_690 = arith.constant 48 : index
      %get3A_691 = tpu.vector_load %arg6[%get3A_689, %get3A_690] {strides = array<i32>} : memref<224x112xi32, #tpu.memory_space<vmem>>, vector<16xi32>,
      %get3A_692 = arith.index_cast %scan3A_680 : i32 to index
      %get3A_693 = arith.constant 64 : index
      %get3A_694 = tpu.vector_load %arg6[%get3A_692, %get3A_693] {strides = array<i32>} : memref<224x112xi32, #tpu.memory_space<vmem>>, vector<16xi32>,
      %get3A_695 = arith.index_cast %scan3A_680 : i32 to index
      %get3A_696 = arith.constant 80 : index
      %get3A_697 = tpu.vector_load %arg6[%get3A_695, %get3A_696] {strides = array<i32>} : memref<224x112xi32, #tpu.memory_space<vmem>>, vector<16xi32>,
      %get3A_698 = arith.index_cast %scan3A_680 : i32 to index
      %get3A_699 = arith.constant 96 : index
      %get3A_700 = tpu.vector_load %arg6[%get3A_698, %get3A_699] {strides = array<i32>} : memref<224x112xi32, #tpu.memory_space<vmem>>, vector<16xi32>,
      %get3A_701 = arith.index_cast %scan3A_680 : i32 to index
      %get3A_702 = arith.constant 0 : index
      %get3A_703 = tpu.vector_load %arg5[%get3A_701, %get3A_702] {strides = array<i32>} : memref<224x112xf32, #tpu.memory_space<vmem>>, vector<16xf32>,
      %get3A_704 = arith.index_cast %scan3A_680 : i32 to index
      %get3A_705 = arith.constant 16 : index
      %get3A_706 = tpu.vector_load %arg5[%get3A_704, %get3A_705] {strides = array<i32>} : memref<224x112xf32, #tpu.memory_space<vmem>>, vector<16xf32>,
      %get3A_707 = arith.index_cast %scan3A_680 : i32 to index
      %get3A_708 = arith.constant 32 : index
      %get3A_709 = tpu.vector_load %arg5[%get3A_707, %get3A_708] {strides = array<i32>} : memref<224x112xf32, #tpu.memory_space<vmem>>, vector<16xf32>,
      %get3A_710 = arith.index_cast %scan3A_680 : i32 to index
      %get3A_711 = arith.constant 48 : index
      %get3A_712 = tpu.vector_load %arg5[%get3A_710, %get3A_711] {strides = array<i32>} : memref<224x112xf32, #tpu.memory_space<vmem>>, vector<16xf32>,
      %get3A_713 = arith.index_cast %scan3A_680 : i32 to index
      %get3A_714 = arith.constant 64 : index
      %get3A_715 = tpu.vector_load %arg5[%get3A_713, %get3A_714] {strides = array<i32>} : memref<224x112xf32, #tpu.memory_space<vmem>>, vector<16xf32>,
      %get3A_716 = arith.index_cast %scan3A_680 : i32 to index
      %get3A_717 = arith.constant 80 : index
      %get3A_718 = tpu.vector_load %arg5[%get3A_716, %get3A_717] {strides = array<i32>} : memref<224x112xf32, #tpu.memory_space<vmem>>, vector<16xf32>,
      %get3A_719 = arith.index_cast %scan3A_680 : i32 to index
      %get3A_720 = arith.constant 96 : index
      %get3A_721 = tpu.vector_load %arg5[%get3A_719, %get3A_720] {strides = array<i32>} : memref<224x112xf32, #tpu.memory_space<vmem>>, vector<16xf32>,
      tpu.vector_store_idx %arg7[%get3A_682], %get3A_703 : memref<50176xf32, #tpu.memory_space<vmem>>[vector<16xi32>], vector<16xf32>,
      tpu.vector_store_idx %arg7[%get3A_685], %get3A_706 : memref<50176xf32, #tpu.memory_space<vmem>>[vector<16xi32>], vector<16xf32>,
      tpu.vector_store_idx %arg7[%get3A_688], %get3A_709 : memref<50176xf32, #tpu.memory_space<vmem>>[vector<16xi32>], vector<16xf32>,
      tpu.vector_store_idx %arg7[%get3A_691], %get3A_712 : memref<50176xf32, #tpu.memory_space<vmem>>[vector<16xi32>], vector<16xf32>,
      tpu.vector_store_idx %arg7[%get3A_694], %get3A_715 : memref<50176xf32, #tpu.memory_space<vmem>>[vector<16xi32>], vector<16xf32>,
      tpu.vector_store_idx %arg7[%get3A_697], %get3A_718 : memref<50176xf32, #tpu.memory_space<vmem>>[vector<16xi32>], vector<16xf32>,
      tpu.vector_store_idx %arg7[%get3A_700], %get3A_721 : memref<50176xf32, #tpu.memory_space<vmem>>[vector<16xi32>], vector<16xf32>,
    }
    %scan3A_98 = arith.constant 224 : i32
    %mul3A_99 = arith.constant 50176 : i32
    %mul3A_100 = arith.muli %add3A_72, %mul3A_99 : i32
    %dma_start3A_101 = tpu.memref_slice %arg4[%mul3A_100] : memref<19267584xf32, #tpu.memory_space<hbm>> -> memref<50176xf32, #tpu.memory_space<hbm>>
    %dma_start3A_102 = tpu.memref_slice %arg4[%mul3A_100] : memref<19267584xf32, #tpu.memory_space<hbm>> -> memref<50176xf32, #tpu.memory_space<hbm>>
    tpu.enqueue_dma source(%arg7 : memref<50176xf32, #tpu.memory_space<vmem>>) target(%dma_start3A_102 : memref<50176xf32, #tpu.memory_space<hbm>>) target_semaphore(%arg9 : memref<!tpu.dma_semaphore, #tpu.memory_space<semaphore_mem>>)
    %mul3A_103 = arith.constant 6 : i32
    %mul3A_104 = arith.muli %add3A, %mul3A_103 : i32
    %add3A_105 = arith.constant 1 : i32
    %add3A_106 = arith.addi %mul3A_104, %add3A_105 : i32
    %jit3A_107 = arith.constant 96 : i32
    %div3A_108 = arith.divsi %add3A_106, %jit3A_107 : i32
    %sign3A_109 = arith.constant 0 : i32
    %sign3A_110 = arith.cmpi sgt, %add3A_106, %sign3A_109 : i32
    %sign3A_111 = arith.extui %sign3A_110 : i1 to i32
    %sign3A_112 = arith.constant 0 : i32
    %sign3A_113 = arith.cmpi slt, %add3A_106, %sign3A_112 : i32
    %sign3A_114 = arith.extui %sign3A_113 : i1 to i32
    %sign3A_115 = arith.subi %sign3A_111, %sign3A_114 : i32
    %sign3A_116 = arith.constant 0 : i32
    %sign3A_117 = arith.cmpi sgt, %jit3A_107, %sign3A_116 : i32
    %sign3A_118 = arith.extui %sign3A_117 : i1 to i32
    %sign3A_119 = arith.constant 0 : i32
    %sign3A_120 = arith.cmpi slt, %jit3A_107, %sign3A_119 : i32
    %sign3A_121 = arith.extui %sign3A_120 : i1 to i32
    %sign3A_122 = arith.subi %sign3A_118, %sign3A_121 : i32
    %ne3A_123 = arith.cmpi ne, %sign3A_115, %sign3A_122 : i32
    %rem3A_124 = arith.remsi %add3A_106, %jit3A_107 : i32
    %ne3A_125 = arith.constant 0 : i32
    %ne3A_126 = arith.cmpi ne, %rem3A_124, %ne3A_125 : i32
    %and3A_127 = arith.andi %ne3A_123, %ne3A_126 : i1
    %sub3A_128 = arith.constant 1 : i32
    %sub3A_129 = arith.subi %div3A_108, %sub3A_128 : i32
    %select_n3A_130 = arith.select %and3A_127, %sub3A_129, %div3A_108 : i32
    %mul3A_131 = arith.constant 96 : i32
    %mul3A_132 = arith.muli %select_n3A_130, %mul3A_131 : i32
    %sub3A_133 = arith.subi %add3A_106, %mul3A_132 : i32
    %dma_start3A_134 = arith.constant 0 : i32
    %dma_start3A_135 = arith.constant 0 : i32
    %dma_start3A_136 = tpu.memref_slice %arg2[%select_n3A_130, %sub3A_133, %dma_start3A_134, %dma_start3A_135] : memref<2x96x224x112xf32, #tpu.memory_space<hbm>> -> memref<1x1x224x112xf32, #tpu.memory_space<hbm>>
    %dma_start3A_137 = tpu.memref_squeeze %dma_start3A_136 : memref<1x1x224x112xf32, #tpu.memory_space<hbm>> -> memref<224x112xf32, #tpu.memory_space<hbm>>
    %dma_start3A_138 = arith.constant 0 : i32
    %dma_start3A_139 = arith.constant 0 : i32
    %dma_start3A_140 = tpu.memref_slice %arg2[%select_n3A_130, %sub3A_133, %dma_start3A_138, %dma_start3A_139] : memref<2x96x224x112xf32, #tpu.memory_space<hbm>> -> memref<1x1x224x112xf32, #tpu.memory_space<hbm>>
    %dma_start3A_141 = tpu.memref_squeeze %dma_start3A_140 : memref<1x1x224x112xf32, #tpu.memory_space<hbm>> -> memref<224x112xf32, #tpu.memory_space<hbm>>
    tpu.enqueue_dma source(%dma_start3A_141 : memref<224x112xf32, #tpu.memory_space<hbm>>) target(%arg5 : memref<224x112xf32, #tpu.memory_space<vmem>>) target_semaphore(%arg8 : memref<!tpu.dma_semaphore, #tpu.memory_space<semaphore_mem>>)
    %dma_start3A_142 = arith.constant 0 : i32
    %dma_start3A_143 = arith.constant 0 : i32
    %dma_start3A_144 = tpu.memref_slice %arg3[%select_n3A_130, %sub3A_133, %dma_start3A_142, %dma_start3A_143] : memref<2x96x224x112xi32, #tpu.memory_space<hbm>> -> memref<1x1x224x112xi32, #tpu.memory_space<hbm>>
    %dma_start3A_145 = tpu.memref_squeeze %dma_start3A_144 : memref<1x1x224x112xi32, #tpu.memory_space<hbm>> -> memref<224x112xi32, #tpu.memory_space<hbm>>
    %dma_start3A_146 = arith.constant 0 : i32
    %dma_start3A_147 = arith.constant 0 : i32
    %dma_start3A_148 = tpu.memref_slice %arg3[%select_n3A_130, %sub3A_133, %dma_start3A_146, %dma_start3A_147] : memref<2x96x224x112xi32, #tpu.memory_space<hbm>> -> memref<1x1x224x112xi32, #tpu.memory_space<hbm>>
    %dma_start3A_149 = tpu.memref_squeeze %dma_start3A_148 : memref<1x1x224x112xi32, #tpu.memory_space<hbm>> -> memref<224x112xi32, #tpu.memory_space<hbm>>
    tpu.enqueue_dma source(%dma_start3A_149 : memref<224x112xi32, #tpu.memory_space<hbm>>) target(%arg6 : memref<224x112xi32, #tpu.memory_space<vmem>>) target_semaphore(%arg8 : memref<!tpu.dma_semaphore, #tpu.memory_space<semaphore_mem>>)
    %mul3A_150 = arith.constant 6 : i32
    %mul3A_151 = arith.muli %add3A, %mul3A_150 : i32
    %add3A_152 = arith.constant 1 : i32
    %add3A_153 = arith.addi %mul3A_151, %add3A_152 : i32
    %jit3A_154 = arith.constant 96 : i32
    %div3A_155 = arith.divsi %add3A_153, %jit3A_154 : i32
    %sign3A_156 = arith.constant 0 : i32
    %sign3A_157 = arith.cmpi sgt, %add3A_153, %sign3A_156 : i32
    %sign3A_158 = arith.extui %sign3A_157 : i1 to i32
    %sign3A_159 = arith.constant 0 : i32
    %sign3A_160 = arith.cmpi slt, %add3A_153, %sign3A_159 : i32
    %sign3A_161 = arith.extui %sign3A_160 : i1 to i32
    %sign3A_162 = arith.subi %sign3A_158, %sign3A_161 : i32
    %sign3A_163 = arith.constant 0 : i32
    %sign3A_164 = arith.cmpi sgt, %jit3A_154, %sign3A_163 : i32
    %sign3A_165 = arith.extui %sign3A_164 : i1 to i32
    %sign3A_166 = arith.constant 0 : i32
    %sign3A_167 = arith.cmpi slt, %jit3A_154, %sign3A_166 : i32
    %sign3A_168 = arith.extui %sign3A_167 : i1 to i32
    %sign3A_169 = arith.subi %sign3A_165, %sign3A_168 : i32
    %ne3A_170 = arith.cmpi ne, %sign3A_162, %sign3A_169 : i32
    %rem3A_171 = arith.remsi %add3A_153, %jit3A_154 : i32
    %ne3A_172 = arith.constant 0 : i32
    %ne3A_173 = arith.cmpi ne, %rem3A_171, %ne3A_172 : i32
    %and3A_174 = arith.andi %ne3A_170, %ne3A_173 : i1
    %sub3A_175 = arith.constant 1 : i32
    %sub3A_176 = arith.subi %div3A_155, %sub3A_175 : i32
    %select_n3A_177 = arith.select %and3A_174, %sub3A_176, %div3A_155 : i32
    %mul3A_178 = arith.constant 96 : i32
    %mul3A_179 = arith.muli %select_n3A_177, %mul3A_178 : i32
    %sub3A_180 = arith.subi %add3A_153, %mul3A_179 : i32
    %mul3A_181 = arith.constant 192 : i32
    %mul3A_182 = arith.muli %select_n3A_177, %mul3A_181 : i32
    %add3A_183 = arith.addi %mul3A_182, %sub3A_180 : i32
    %dma_wait3A_184 = tpu.memref_slice %arg4[%mul3A_100] : memref<19267584xf32, #tpu.memory_space<hbm>> -> memref<50176xf32, #tpu.memory_space<hbm>>
    %dma_wait3A_185 = tpu.memref_slice %arg4[%mul3A_100] : memref<19267584xf32, #tpu.memory_space<hbm>> -> memref<50176xf32, #tpu.memory_space<hbm>>
    tpu.wait_dma2 semaphore(%arg9 : memref<!tpu.dma_semaphore, #tpu.memory_space<semaphore_mem>>) src(%arg7 : memref<50176xf32, #tpu.memory_space<vmem>>) dst(%dma_wait3A_185 : memref<50176xf32, #tpu.memory_space<hbm>>)
    %scan3A_186 = arith.constant 0 : i32
    %scan3A_187 = arith.constant 0 : i32
    %scan3A_188 = arith.constant 196 : i32
    %scan3A_189 = arith.addi %scan3A_187, %scan3A_188 : i32
    %scan3A_190 = arith.constant 1 : i32
    scf.for %scan3A_680 = %scan3A_187 to %scan3A_189 step %scan3A_190  : i32 {
      %mul3A_681 = arith.constant 256 : i32
      %mul3A_682 = arith.muli %scan3A_680, %mul3A_681 : i32
      %broadcast_in_dim3A = arith.constant 0.000000e+00 : f32
      %broadcast_in_dim3A_683 = vector.broadcast %broadcast_in_dim3A : f32 to vector<16xf32>
      %add3A_684 = arith.constant 0 : i32
      %add3A_685 = arith.addi %mul3A_682, %add3A_684 : i32
      %swap3A = arith.index_cast %add3A_685 : i32 to index
      %swap3A_686 = tpu.vector_load %arg7[%swap3A] {strides = array<i32>} : memref<50176xf32, #tpu.memory_space<vmem>>, vector<16xf32>,
      tpu.vector_store %arg7[%swap3A], %broadcast_in_dim3A_683 {strides = array<i32>} : memref<50176xf32, #tpu.memory_space<vmem>>, vector<16xf32>,
      %broadcast_in_dim3A_687 = arith.constant 0.000000e+00 : f32
      %broadcast_in_dim3A_688 = vector.broadcast %broadcast_in_dim3A_687 : f32 to vector<16xf32>
      %add3A_689 = arith.constant 16 : i32
      %add3A_690 = arith.addi %mul3A_682, %add3A_689 : i32
      %swap3A_691 = arith.index_cast %add3A_690 : i32 to index
      %swap3A_692 = tpu.vector_load %arg7[%swap3A_691] {strides = array<i32>} : memref<50176xf32, #tpu.memory_space<vmem>>, vector<16xf32>,
      tpu.vector_store %arg7[%swap3A_691], %broadcast_in_dim3A_688 {strides = array<i32>} : memref<50176xf32, #tpu.memory_space<vmem>>, vector<16xf32>,
      %broadcast_in_dim3A_693 = arith.constant 0.000000e+00 : f32
      %broadcast_in_dim3A_694 = vector.broadcast %broadcast_in_dim3A_693 : f32 to vector<16xf32>
      %add3A_695 = arith.constant 32 : i32
      %add3A_696 = arith.addi %mul3A_682, %add3A_695 : i32
      %swap3A_697 = arith.index_cast %add3A_696 : i32 to index
      %swap3A_698 = tpu.vector_load %arg7[%swap3A_697] {strides = array<i32>} : memref<50176xf32, #tpu.memory_space<vmem>>, vector<16xf32>,
      tpu.vector_store %arg7[%swap3A_697], %broadcast_in_dim3A_694 {strides = array<i32>} : memref<50176xf32, #tpu.memory_space<vmem>>, vector<16xf32>,
      %broadcast_in_dim3A_699 = arith.constant 0.000000e+00 : f32
      %broadcast_in_dim3A_700 = vector.broadcast %broadcast_in_dim3A_699 : f32 to vector<16xf32>
      %add3A_701 = arith.constant 48 : i32
      %add3A_702 = arith.addi %mul3A_682, %add3A_701 : i32
      %swap3A_703 = arith.index_cast %add3A_702 : i32 to index
      %swap3A_704 = tpu.vector_load %arg7[%swap3A_703] {strides = array<i32>} : memref<50176xf32, #tpu.memory_space<vmem>>, vector<16xf32>,
      tpu.vector_store %arg7[%swap3A_703], %broadcast_in_dim3A_700 {strides = array<i32>} : memref<50176xf32, #tpu.memory_space<vmem>>, vector<16xf32>,
      %broadcast_in_dim3A_705 = arith.constant 0.000000e+00 : f32
      %broadcast_in_dim3A_706 = vector.broadcast %broadcast_in_dim3A_705 : f32 to vector<16xf32>
      %add3A_707 = arith.constant 64 : i32
      %add3A_708 = arith.addi %mul3A_682, %add3A_707 : i32
      %swap3A_709 = arith.index_cast %add3A_708 : i32 to index
      %swap3A_710 = tpu.vector_load %arg7[%swap3A_709] {strides = array<i32>} : memref<50176xf32, #tpu.memory_space<vmem>>, vector<16xf32>,
      tpu.vector_store %arg7[%swap3A_709], %broadcast_in_dim3A_706 {strides = array<i32>} : memref<50176xf32, #tpu.memory_space<vmem>>, vector<16xf32>,
      %broadcast_in_dim3A_711 = arith.constant 0.000000e+00 : f32
      %broadcast_in_dim3A_712 = vector.broadcast %broadcast_in_dim3A_711 : f32 to vector<16xf32>
      %add3A_713 = arith.constant 80 : i32
      %add3A_714 = arith.addi %mul3A_682, %add3A_713 : i32
      %swap3A_715 = arith.index_cast %add3A_714 : i32 to index
      %swap3A_716 = tpu.vector_load %arg7[%swap3A_715] {strides = array<i32>} : memref<50176xf32, #tpu.memory_space<vmem>>, vector<16xf32>,
      tpu.vector_store %arg7[%swap3A_715], %broadcast_in_dim3A_712 {strides = array<i32>} : memref<50176xf32, #tpu.memory_space<vmem>>, vector<16xf32>,
      %broadcast_in_dim3A_717 = arith.constant 0.000000e+00 : f32
      %broadcast_in_dim3A_718 = vector.broadcast %broadcast_in_dim3A_717 : f32 to vector<16xf32>
      %add3A_719 = arith.constant 96 : i32
      %add3A_720 = arith.addi %mul3A_682, %add3A_719 : i32
      %swap3A_721 = arith.index_cast %add3A_720 : i32 to index
      %swap3A_722 = tpu.vector_load %arg7[%swap3A_721] {strides = array<i32>} : memref<50176xf32, #tpu.memory_space<vmem>>, vector<16xf32>,
      tpu.vector_store %arg7[%swap3A_721], %broadcast_in_dim3A_718 {strides = array<i32>} : memref<50176xf32, #tpu.memory_space<vmem>>, vector<16xf32>,
      %broadcast_in_dim3A_723 = arith.constant 0.000000e+00 : f32
      %broadcast_in_dim3A_724 = vector.broadcast %broadcast_in_dim3A_723 : f32 to vector<16xf32>
      %add3A_725 = arith.constant 112 : i32
      %add3A_726 = arith.addi %mul3A_682, %add3A_725 : i32
      %swap3A_727 = arith.index_cast %add3A_726 : i32 to index
      %swap3A_728 = tpu.vector_load %arg7[%swap3A_727] {strides = array<i32>} : memref<50176xf32, #tpu.memory_space<vmem>>, vector<16xf32>,
      tpu.vector_store %arg7[%swap3A_727], %broadcast_in_dim3A_724 {strides = array<i32>} : memref<50176xf32, #tpu.memory_space<vmem>>, vector<16xf32>,
      %broadcast_in_dim3A_729 = arith.constant 0.000000e+00 : f32
      %broadcast_in_dim3A_730 = vector.broadcast %broadcast_in_dim3A_729 : f32 to vector<16xf32>
      %add3A_731 = arith.constant 128 : i32
      %add3A_732 = arith.addi %mul3A_682, %add3A_731 : i32
      %swap3A_733 = arith.index_cast %add3A_732 : i32 to index
      %swap3A_734 = tpu.vector_load %arg7[%swap3A_733] {strides = array<i32>} : memref<50176xf32, #tpu.memory_space<vmem>>, vector<16xf32>,
      tpu.vector_store %arg7[%swap3A_733], %broadcast_in_dim3A_730 {strides = array<i32>} : memref<50176xf32, #tpu.memory_space<vmem>>, vector<16xf32>,
      %broadcast_in_dim3A_735 = arith.constant 0.000000e+00 : f32
      %broadcast_in_dim3A_736 = vector.broadcast %broadcast_in_dim3A_735 : f32 to vector<16xf32>
      %add3A_737 = arith.constant 144 : i32
      %add3A_738 = arith.addi %mul3A_682, %add3A_737 : i32
      %swap3A_739 = arith.index_cast %add3A_738 : i32 to index
      %swap3A_740 = tpu.vector_load %arg7[%swap3A_739] {strides = array<i32>} : memref<50176xf32, #tpu.memory_space<vmem>>, vector<16xf32>,
      tpu.vector_store %arg7[%swap3A_739], %broadcast_in_dim3A_736 {strides = array<i32>} : memref<50176xf32, #tpu.memory_space<vmem>>, vector<16xf32>,
      %broadcast_in_dim3A_741 = arith.constant 0.000000e+00 : f32
      %broadcast_in_dim3A_742 = vector.broadcast %broadcast_in_dim3A_741 : f32 to vector<16xf32>
      %add3A_743 = arith.constant 160 : i32
      %add3A_744 = arith.addi %mul3A_682, %add3A_743 : i32
      %swap3A_745 = arith.index_cast %add3A_744 : i32 to index
      %swap3A_746 = tpu.vector_load %arg7[%swap3A_745] {strides = array<i32>} : memref<50176xf32, #tpu.memory_space<vmem>>, vector<16xf32>,
      tpu.vector_store %arg7[%swap3A_745], %broadcast_in_dim3A_742 {strides = array<i32>} : memref<50176xf32, #tpu.memory_space<vmem>>, vector<16xf32>,
      %broadcast_in_dim3A_747 = arith.constant 0.000000e+00 : f32
      %broadcast_in_dim3A_748 = vector.broadcast %broadcast_in_dim3A_747 : f32 to vector<16xf32>
      %add3A_749 = arith.constant 176 : i32
      %add3A_750 = arith.addi %mul3A_682, %add3A_749 : i32
      %swap3A_751 = arith.index_cast %add3A_750 : i32 to index
      %swap3A_752 = tpu.vector_load %arg7[%swap3A_751] {strides = array<i32>} : memref<50176xf32, #tpu.memory_space<vmem>>, vector<16xf32>,
      tpu.vector_store %arg7[%swap3A_751], %broadcast_in_dim3A_748 {strides = array<i32>} : memref<50176xf32, #tpu.memory_space<vmem>>, vector<16xf32>,
      %broadcast_in_dim3A_753 = arith.constant 0.000000e+00 : f32
      %broadcast_in_dim3A_754 = vector.broadcast %broadcast_in_dim3A_753 : f32 to vector<16xf32>
      %add3A_755 = arith.constant 192 : i32
      %add3A_756 = arith.addi %mul3A_682, %add3A_755 : i32
      %swap3A_757 = arith.index_cast %add3A_756 : i32 to index
      %swap3A_758 = tpu.vector_load %arg7[%swap3A_757] {strides = array<i32>} : memref<50176xf32, #tpu.memory_space<vmem>>, vector<16xf32>,
      tpu.vector_store %arg7[%swap3A_757], %broadcast_in_dim3A_754 {strides = array<i32>} : memref<50176xf32, #tpu.memory_space<vmem>>, vector<16xf32>,
      %broadcast_in_dim3A_759 = arith.constant 0.000000e+00 : f32
      %broadcast_in_dim3A_760 = vector.broadcast %broadcast_in_dim3A_759 : f32 to vector<16xf32>
      %add3A_761 = arith.constant 208 : i32
      %add3A_762 = arith.addi %mul3A_682, %add3A_761 : i32
      %swap3A_763 = arith.index_cast %add3A_762 : i32 to index
      %swap3A_764 = tpu.vector_load %arg7[%swap3A_763] {strides = array<i32>} : memref<50176xf32, #tpu.memory_space<vmem>>, vector<16xf32>,
      tpu.vector_store %arg7[%swap3A_763], %broadcast_in_dim3A_760 {strides = array<i32>} : memref<50176xf32, #tpu.memory_space<vmem>>, vector<16xf32>,
      %broadcast_in_dim3A_765 = arith.constant 0.000000e+00 : f32
      %broadcast_in_dim3A_766 = vector.broadcast %broadcast_in_dim3A_765 : f32 to vector<16xf32>
      %add3A_767 = arith.constant 224 : i32
      %add3A_768 = arith.addi %mul3A_682, %add3A_767 : i32
      %swap3A_769 = arith.index_cast %add3A_768 : i32 to index
      %swap3A_770 = tpu.vector_load %arg7[%swap3A_769] {strides = array<i32>} : memref<50176xf32, #tpu.memory_space<vmem>>, vector<16xf32>,
      tpu.vector_store %arg7[%swap3A_769], %broadcast_in_dim3A_766 {strides = array<i32>} : memref<50176xf32, #tpu.memory_space<vmem>>, vector<16xf32>,
      %broadcast_in_dim3A_771 = arith.constant 0.000000e+00 : f32
      %broadcast_in_dim3A_772 = vector.broadcast %broadcast_in_dim3A_771 : f32 to vector<16xf32>
      %add3A_773 = arith.constant 240 : i32
      %add3A_774 = arith.addi %mul3A_682, %add3A_773 : i32
      %swap3A_775 = arith.index_cast %add3A_774 : i32 to index
      %swap3A_776 = tpu.vector_load %arg7[%swap3A_775] {strides = array<i32>} : memref<50176xf32, #tpu.memory_space<vmem>>, vector<16xf32>,
      tpu.vector_store %arg7[%swap3A_775], %broadcast_in_dim3A_772 {strides = array<i32>} : memref<50176xf32, #tpu.memory_space<vmem>>, vector<16xf32>,
    }
    %scan3A_191 = arith.constant 196 : i32
    %dma_wait3A_192 = arith.constant 0 : i32
    %dma_wait3A_193 = arith.constant 0 : i32
    %dma_wait3A_194 = tpu.memref_slice %arg2[%select_n3A_130, %sub3A_133, %dma_wait3A_192, %dma_wait3A_193] : memref<2x96x224x112xf32, #tpu.memory_space<hbm>> -> memref<1x1x224x112xf32, #tpu.memory_space<hbm>>
    %dma_wait3A_195 = tpu.memref_squeeze %dma_wait3A_194 : memref<1x1x224x112xf32, #tpu.memory_space<hbm>> -> memref<224x112xf32, #tpu.memory_space<hbm>>
    %dma_wait3A_196 = arith.constant 0 : i32
    %dma_wait3A_197 = arith.constant 0 : i32
    %dma_wait3A_198 = tpu.memref_slice %arg2[%select_n3A_130, %sub3A_133, %dma_wait3A_196, %dma_wait3A_197] : memref<2x96x224x112xf32, #tpu.memory_space<hbm>> -> memref<1x1x224x112xf32, #tpu.memory_space<hbm>>
    %dma_wait3A_199 = tpu.memref_squeeze %dma_wait3A_198 : memref<1x1x224x112xf32, #tpu.memory_space<hbm>> -> memref<224x112xf32, #tpu.memory_space<hbm>>
    tpu.wait_dma2 semaphore(%arg8 : memref<!tpu.dma_semaphore, #tpu.memory_space<semaphore_mem>>) src(%dma_wait3A_199 : memref<224x112xf32, #tpu.memory_space<hbm>>) dst(%arg5 : memref<224x112xf32, #tpu.memory_space<vmem>>)
    %dma_wait3A_200 = arith.constant 0 : i32
    %dma_wait3A_201 = arith.constant 0 : i32
    %dma_wait3A_202 = tpu.memref_slice %arg3[%select_n3A_130, %sub3A_133, %dma_wait3A_200, %dma_wait3A_201] : memref<2x96x224x112xi32, #tpu.memory_space<hbm>> -> memref<1x1x224x112xi32, #tpu.memory_space<hbm>>
    %dma_wait3A_203 = tpu.memref_squeeze %dma_wait3A_202 : memref<1x1x224x112xi32, #tpu.memory_space<hbm>> -> memref<224x112xi32, #tpu.memory_space<hbm>>
    %dma_wait3A_204 = arith.constant 0 : i32
    %dma_wait3A_205 = arith.constant 0 : i32
    %dma_wait3A_206 = tpu.memref_slice %arg3[%select_n3A_130, %sub3A_133, %dma_wait3A_204, %dma_wait3A_205] : memref<2x96x224x112xi32, #tpu.memory_space<hbm>> -> memref<1x1x224x112xi32, #tpu.memory_space<hbm>>
    %dma_wait3A_207 = tpu.memref_squeeze %dma_wait3A_206 : memref<1x1x224x112xi32, #tpu.memory_space<hbm>> -> memref<224x112xi32, #tpu.memory_space<hbm>>
    tpu.wait_dma2 semaphore(%arg8 : memref<!tpu.dma_semaphore, #tpu.memory_space<semaphore_mem>>) src(%dma_wait3A_207 : memref<224x112xi32, #tpu.memory_space<hbm>>) dst(%arg6 : memref<224x112xi32, #tpu.memory_space<vmem>>)
    %scan3A_208 = arith.constant 0 : i32
    %scan3A_209 = arith.constant 0 : i32
    %scan3A_210 = arith.constant 224 : i32
    %scan3A_211 = arith.addi %scan3A_209, %scan3A_210 : i32
    %scan3A_212 = arith.constant 1 : i32
    scf.for %scan3A_680 = %scan3A_209 to %scan3A_211 step %scan3A_212  : i32 {
      %get3A = arith.index_cast %scan3A_680 : i32 to index
      %get3A_681 = arith.constant 0 : index
      %get3A_682 = tpu.vector_load %arg6[%get3A, %get3A_681] {strides = array<i32>} : memref<224x112xi32, #tpu.memory_space<vmem>>, vector<16xi32>,
      %get3A_683 = arith.index_cast %scan3A_680 : i32 to index
      %get3A_684 = arith.constant 16 : index
      %get3A_685 = tpu.vector_load %arg6[%get3A_683, %get3A_684] {strides = array<i32>} : memref<224x112xi32, #tpu.memory_space<vmem>>, vector<16xi32>,
      %get3A_686 = arith.index_cast %scan3A_680 : i32 to index
      %get3A_687 = arith.constant 32 : index
      %get3A_688 = tpu.vector_load %arg6[%get3A_686, %get3A_687] {strides = array<i32>} : memref<224x112xi32, #tpu.memory_space<vmem>>, vector<16xi32>,
      %get3A_689 = arith.index_cast %scan3A_680 : i32 to index
      %get3A_690 = arith.constant 48 : index
      %get3A_691 = tpu.vector_load %arg6[%get3A_689, %get3A_690] {strides = array<i32>} : memref<224x112xi32, #tpu.memory_space<vmem>>, vector<16xi32>,
      %get3A_692 = arith.index_cast %scan3A_680 : i32 to index
      %get3A_693 = arith.constant 64 : index
      %get3A_694 = tpu.vector_load %arg6[%get3A_692, %get3A_693] {strides = array<i32>} : memref<224x112xi32, #tpu.memory_space<vmem>>, vector<16xi32>,
      %get3A_695 = arith.index_cast %scan3A_680 : i32 to index
      %get3A_696 = arith.constant 80 : index
      %get3A_697 = tpu.vector_load %arg6[%get3A_695, %get3A_696] {strides = array<i32>} : memref<224x112xi32, #tpu.memory_space<vmem>>, vector<16xi32>,
      %get3A_698 = arith.index_cast %scan3A_680 : i32 to index
      %get3A_699 = arith.constant 96 : index
      %get3A_700 = tpu.vector_load %arg6[%get3A_698, %get3A_699] {strides = array<i32>} : memref<224x112xi32, #tpu.memory_space<vmem>>, vector<16xi32>,
      %get3A_701 = arith.index_cast %scan3A_680 : i32 to index
      %get3A_702 = arith.constant 0 : index
      %get3A_703 = tpu.vector_load %arg5[%get3A_701, %get3A_702] {strides = array<i32>} : memref<224x112xf32, #tpu.memory_space<vmem>>, vector<16xf32>,
      %get3A_704 = arith.index_cast %scan3A_680 : i32 to index
      %get3A_705 = arith.constant 16 : index
      %get3A_706 = tpu.vector_load %arg5[%get3A_704, %get3A_705] {strides = array<i32>} : memref<224x112xf32, #tpu.memory_space<vmem>>, vector<16xf32>,
      %get3A_707 = arith.index_cast %scan3A_680 : i32 to index
      %get3A_708 = arith.constant 32 : index
      %get3A_709 = tpu.vector_load %arg5[%get3A_707, %get3A_708] {strides = array<i32>} : memref<224x112xf32, #tpu.memory_space<vmem>>, vector<16xf32>,
      %get3A_710 = arith.index_cast %scan3A_680 : i32 to index
      %get3A_711 = arith.constant 48 : index
      %get3A_712 = tpu.vector_load %arg5[%get3A_710, %get3A_711] {strides = array<i32>} : memref<224x112xf32, #tpu.memory_space<vmem>>, vector<16xf32>,
      %get3A_713 = arith.index_cast %scan3A_680 : i32 to index
      %get3A_714 = arith.constant 64 : index
      %get3A_715 = tpu.vector_load %arg5[%get3A_713, %get3A_714] {strides = array<i32>} : memref<224x112xf32, #tpu.memory_space<vmem>>, vector<16xf32>,
      %get3A_716 = arith.index_cast %scan3A_680 : i32 to index
      %get3A_717 = arith.constant 80 : index
      %get3A_718 = tpu.vector_load %arg5[%get3A_716, %get3A_717] {strides = array<i32>} : memref<224x112xf32, #tpu.memory_space<vmem>>, vector<16xf32>,
      %get3A_719 = arith.index_cast %scan3A_680 : i32 to index
      %get3A_720 = arith.constant 96 : index
      %get3A_721 = tpu.vector_load %arg5[%get3A_719, %get3A_720] {strides = array<i32>} : memref<224x112xf32, #tpu.memory_space<vmem>>, vector<16xf32>,
      tpu.vector_store_idx %arg7[%get3A_682], %get3A_703 : memref<50176xf32, #tpu.memory_space<vmem>>[vector<16xi32>], vector<16xf32>,
      tpu.vector_store_idx %arg7[%get3A_685], %get3A_706 : memref<50176xf32, #tpu.memory_space<vmem>>[vector<16xi32>], vector<16xf32>,
      tpu.vector_store_idx %arg7[%get3A_688], %get3A_709 : memref<50176xf32, #tpu.memory_space<vmem>>[vector<16xi32>], vector<16xf32>,
      tpu.vector_store_idx %arg7[%get3A_691], %get3A_712 : memref<50176xf32, #tpu.memory_space<vmem>>[vector<16xi32>], vector<16xf32>,
      tpu.vector_store_idx %arg7[%get3A_694], %get3A_715 : memref<50176xf32, #tpu.memory_space<vmem>>[vector<16xi32>], vector<16xf32>,
      tpu.vector_store_idx %arg7[%get3A_697], %get3A_718 : memref<50176xf32, #tpu.memory_space<vmem>>[vector<16xi32>], vector<16xf32>,
      tpu.vector_store_idx %arg7[%get3A_700], %get3A_721 : memref<50176xf32, #tpu.memory_space<vmem>>[vector<16xi32>], vector<16xf32>,
    }
    %scan3A_213 = arith.constant 224 : i32
    %mul3A_214 = arith.constant 50176 : i32
    %mul3A_215 = arith.muli %add3A_183, %mul3A_214 : i32
    %dma_start3A_216 = tpu.memref_slice %arg4[%mul3A_215] : memref<19267584xf32, #tpu.memory_space<hbm>> -> memref<50176xf32, #tpu.memory_space<hbm>>
    %dma_start3A_217 = tpu.memref_slice %arg4[%mul3A_215] : memref<19267584xf32, #tpu.memory_space<hbm>> -> memref<50176xf32, #tpu.memory_space<hbm>>
    tpu.enqueue_dma source(%arg7 : memref<50176xf32, #tpu.memory_space<vmem>>) target(%dma_start3A_217 : memref<50176xf32, #tpu.memory_space<hbm>>) target_semaphore(%arg9 : memref<!tpu.dma_semaphore, #tpu.memory_space<semaphore_mem>>)
    %mul3A_218 = arith.constant 6 : i32
    %mul3A_219 = arith.muli %add3A, %mul3A_218 : i32
    %add3A_220 = arith.constant 2 : i32
    %add3A_221 = arith.addi %mul3A_219, %add3A_220 : i32
    %jit3A_222 = arith.constant 96 : i32
    %div3A_223 = arith.divsi %add3A_221, %jit3A_222 : i32
    %sign3A_224 = arith.constant 0 : i32
    %sign3A_225 = arith.cmpi sgt, %add3A_221, %sign3A_224 : i32
    %sign3A_226 = arith.extui %sign3A_225 : i1 to i32
    %sign3A_227 = arith.constant 0 : i32
    %sign3A_228 = arith.cmpi slt, %add3A_221, %sign3A_227 : i32
    %sign3A_229 = arith.extui %sign3A_228 : i1 to i32
    %sign3A_230 = arith.subi %sign3A_226, %sign3A_229 : i32
    %sign3A_231 = arith.constant 0 : i32
    %sign3A_232 = arith.cmpi sgt, %jit3A_222, %sign3A_231 : i32
    %sign3A_233 = arith.extui %sign3A_232 : i1 to i32
    %sign3A_234 = arith.constant 0 : i32
    %sign3A_235 = arith.cmpi slt, %jit3A_222, %sign3A_234 : i32
    %sign3A_236 = arith.extui %sign3A_235 : i1 to i32
    %sign3A_237 = arith.subi %sign3A_233, %sign3A_236 : i32
    %ne3A_238 = arith.cmpi ne, %sign3A_230, %sign3A_237 : i32
    %rem3A_239 = arith.remsi %add3A_221, %jit3A_222 : i32
    %ne3A_240 = arith.constant 0 : i32
    %ne3A_241 = arith.cmpi ne, %rem3A_239, %ne3A_240 : i32
    %and3A_242 = arith.andi %ne3A_238, %ne3A_241 : i1
    %sub3A_243 = arith.constant 1 : i32
    %sub3A_244 = arith.subi %div3A_223, %sub3A_243 : i32
    %select_n3A_245 = arith.select %and3A_242, %sub3A_244, %div3A_223 : i32
    %mul3A_246 = arith.constant 96 : i32
    %mul3A_247 = arith.muli %select_n3A_245, %mul3A_246 : i32
    %sub3A_248 = arith.subi %add3A_221, %mul3A_247 : i32
    %dma_start3A_249 = arith.constant 0 : i32
    %dma_start3A_250 = arith.constant 0 : i32
    %dma_start3A_251 = tpu.memref_slice %arg2[%select_n3A_245, %sub3A_248, %dma_start3A_249, %dma_start3A_250] : memref<2x96x224x112xf32, #tpu.memory_space<hbm>> -> memref<1x1x224x112xf32, #tpu.memory_space<hbm>>
    %dma_start3A_252 = tpu.memref_squeeze %dma_start3A_251 : memref<1x1x224x112xf32, #tpu.memory_space<hbm>> -> memref<224x112xf32, #tpu.memory_space<hbm>>
    %dma_start3A_253 = arith.constant 0 : i32
    %dma_start3A_254 = arith.constant 0 : i32
    %dma_start3A_255 = tpu.memref_slice %arg2[%select_n3A_245, %sub3A_248, %dma_start3A_253, %dma_start3A_254] : memref<2x96x224x112xf32, #tpu.memory_space<hbm>> -> memref<1x1x224x112xf32, #tpu.memory_space<hbm>>
    %dma_start3A_256 = tpu.memref_squeeze %dma_start3A_255 : memref<1x1x224x112xf32, #tpu.memory_space<hbm>> -> memref<224x112xf32, #tpu.memory_space<hbm>>
    tpu.enqueue_dma source(%dma_start3A_256 : memref<224x112xf32, #tpu.memory_space<hbm>>) target(%arg5 : memref<224x112xf32, #tpu.memory_space<vmem>>) target_semaphore(%arg8 : memref<!tpu.dma_semaphore, #tpu.memory_space<semaphore_mem>>)
    %dma_start3A_257 = arith.constant 0 : i32
    %dma_start3A_258 = arith.constant 0 : i32
    %dma_start3A_259 = tpu.memref_slice %arg3[%select_n3A_245, %sub3A_248, %dma_start3A_257, %dma_start3A_258] : memref<2x96x224x112xi32, #tpu.memory_space<hbm>> -> memref<1x1x224x112xi32, #tpu.memory_space<hbm>>
    %dma_start3A_260 = tpu.memref_squeeze %dma_start3A_259 : memref<1x1x224x112xi32, #tpu.memory_space<hbm>> -> memref<224x112xi32, #tpu.memory_space<hbm>>
    %dma_start3A_261 = arith.constant 0 : i32
    %dma_start3A_262 = arith.constant 0 : i32
    %dma_start3A_263 = tpu.memref_slice %arg3[%select_n3A_245, %sub3A_248, %dma_start3A_261, %dma_start3A_262] : memref<2x96x224x112xi32, #tpu.memory_space<hbm>> -> memref<1x1x224x112xi32, #tpu.memory_space<hbm>>
    %dma_start3A_264 = tpu.memref_squeeze %dma_start3A_263 : memref<1x1x224x112xi32, #tpu.memory_space<hbm>> -> memref<224x112xi32, #tpu.memory_space<hbm>>
    tpu.enqueue_dma source(%dma_start3A_264 : memref<224x112xi32, #tpu.memory_space<hbm>>) target(%arg6 : memref<224x112xi32, #tpu.memory_space<vmem>>) target_semaphore(%arg8 : memref<!tpu.dma_semaphore, #tpu.memory_space<semaphore_mem>>)
    %mul3A_265 = arith.constant 6 : i32
    %mul3A_266 = arith.muli %add3A, %mul3A_265 : i32
    %add3A_267 = arith.constant 2 : i32
    %add3A_268 = arith.addi %mul3A_266, %add3A_267 : i32
    %jit3A_269 = arith.constant 96 : i32
    %div3A_270 = arith.divsi %add3A_268, %jit3A_269 : i32
    %sign3A_271 = arith.constant 0 : i32
    %sign3A_272 = arith.cmpi sgt, %add3A_268, %sign3A_271 : i32
    %sign3A_273 = arith.extui %sign3A_272 : i1 to i32
    %sign3A_274 = arith.constant 0 : i32
    %sign3A_275 = arith.cmpi slt, %add3A_268, %sign3A_274 : i32
    %sign3A_276 = arith.extui %sign3A_275 : i1 to i32
    %sign3A_277 = arith.subi %sign3A_273, %sign3A_276 : i32
    %sign3A_278 = arith.constant 0 : i32
    %sign3A_279 = arith.cmpi sgt, %jit3A_269, %sign3A_278 : i32
    %sign3A_280 = arith.extui %sign3A_279 : i1 to i32
    %sign3A_281 = arith.constant 0 : i32
    %sign3A_282 = arith.cmpi slt, %jit3A_269, %sign3A_281 : i32
    %sign3A_283 = arith.extui %sign3A_282 : i1 to i32
    %sign3A_284 = arith.subi %sign3A_280, %sign3A_283 : i32
    %ne3A_285 = arith.cmpi ne, %sign3A_277, %sign3A_284 : i32
    %rem3A_286 = arith.remsi %add3A_268, %jit3A_269 : i32
    %ne3A_287 = arith.constant 0 : i32
    %ne3A_288 = arith.cmpi ne, %rem3A_286, %ne3A_287 : i32
    %and3A_289 = arith.andi %ne3A_285, %ne3A_288 : i1
    %sub3A_290 = arith.constant 1 : i32
    %sub3A_291 = arith.subi %div3A_270, %sub3A_290 : i32
    %select_n3A_292 = arith.select %and3A_289, %sub3A_291, %div3A_270 : i32
    %mul3A_293 = arith.constant 96 : i32
    %mul3A_294 = arith.muli %select_n3A_292, %mul3A_293 : i32
    %sub3A_295 = arith.subi %add3A_268, %mul3A_294 : i32
    %mul3A_296 = arith.constant 192 : i32
    %mul3A_297 = arith.muli %select_n3A_292, %mul3A_296 : i32
    %add3A_298 = arith.addi %mul3A_297, %sub3A_295 : i32
    %dma_wait3A_299 = tpu.memref_slice %arg4[%mul3A_215] : memref<19267584xf32, #tpu.memory_space<hbm>> -> memref<50176xf32, #tpu.memory_space<hbm>>
    %dma_wait3A_300 = tpu.memref_slice %arg4[%mul3A_215] : memref<19267584xf32, #tpu.memory_space<hbm>> -> memref<50176xf32, #tpu.memory_space<hbm>>
    tpu.wait_dma2 semaphore(%arg9 : memref<!tpu.dma_semaphore, #tpu.memory_space<semaphore_mem>>) src(%arg7 : memref<50176xf32, #tpu.memory_space<vmem>>) dst(%dma_wait3A_300 : memref<50176xf32, #tpu.memory_space<hbm>>)
    %scan3A_301 = arith.constant 0 : i32
    %scan3A_302 = arith.constant 0 : i32
    %scan3A_303 = arith.constant 196 : i32
    %scan3A_304 = arith.addi %scan3A_302, %scan3A_303 : i32
    %scan3A_305 = arith.constant 1 : i32
    scf.for %scan3A_680 = %scan3A_302 to %scan3A_304 step %scan3A_305  : i32 {
      %mul3A_681 = arith.constant 256 : i32
      %mul3A_682 = arith.muli %scan3A_680, %mul3A_681 : i32
      %broadcast_in_dim3A = arith.constant 0.000000e+00 : f32
      %broadcast_in_dim3A_683 = vector.broadcast %broadcast_in_dim3A : f32 to vector<16xf32>
      %add3A_684 = arith.constant 0 : i32
      %add3A_685 = arith.addi %mul3A_682, %add3A_684 : i32
      %swap3A = arith.index_cast %add3A_685 : i32 to index
      %swap3A_686 = tpu.vector_load %arg7[%swap3A] {strides = array<i32>} : memref<50176xf32, #tpu.memory_space<vmem>>, vector<16xf32>,
      tpu.vector_store %arg7[%swap3A], %broadcast_in_dim3A_683 {strides = array<i32>} : memref<50176xf32, #tpu.memory_space<vmem>>, vector<16xf32>,
      %broadcast_in_dim3A_687 = arith.constant 0.000000e+00 : f32
      %broadcast_in_dim3A_688 = vector.broadcast %broadcast_in_dim3A_687 : f32 to vector<16xf32>
      %add3A_689 = arith.constant 16 : i32
      %add3A_690 = arith.addi %mul3A_682, %add3A_689 : i32
      %swap3A_691 = arith.index_cast %add3A_690 : i32 to index
      %swap3A_692 = tpu.vector_load %arg7[%swap3A_691] {strides = array<i32>} : memref<50176xf32, #tpu.memory_space<vmem>>, vector<16xf32>,
      tpu.vector_store %arg7[%swap3A_691], %broadcast_in_dim3A_688 {strides = array<i32>} : memref<50176xf32, #tpu.memory_space<vmem>>, vector<16xf32>,
      %broadcast_in_dim3A_693 = arith.constant 0.000000e+00 : f32
      %broadcast_in_dim3A_694 = vector.broadcast %broadcast_in_dim3A_693 : f32 to vector<16xf32>
      %add3A_695 = arith.constant 32 : i32
      %add3A_696 = arith.addi %mul3A_682, %add3A_695 : i32
      %swap3A_697 = arith.index_cast %add3A_696 : i32 to index
      %swap3A_698 = tpu.vector_load %arg7[%swap3A_697] {strides = array<i32>} : memref<50176xf32, #tpu.memory_space<vmem>>, vector<16xf32>,
      tpu.vector_store %arg7[%swap3A_697], %broadcast_in_dim3A_694 {strides = array<i32>} : memref<50176xf32, #tpu.memory_space<vmem>>, vector<16xf32>,
      %broadcast_in_dim3A_699 = arith.constant 0.000000e+00 : f32
      %broadcast_in_dim3A_700 = vector.broadcast %broadcast_in_dim3A_699 : f32 to vector<16xf32>
      %add3A_701 = arith.constant 48 : i32
      %add3A_702 = arith.addi %mul3A_682, %add3A_701 : i32
      %swap3A_703 = arith.index_cast %add3A_702 : i32 to index
      %swap3A_704 = tpu.vector_load %arg7[%swap3A_703] {strides = array<i32>} : memref<50176xf32, #tpu.memory_space<vmem>>, vector<16xf32>,
      tpu.vector_store %arg7[%swap3A_703], %broadcast_in_dim3A_700 {strides = array<i32>} : memref<50176xf32, #tpu.memory_space<vmem>>, vector<16xf32>,
      %broadcast_in_dim3A_705 = arith.constant 0.000000e+00 : f32
      %broadcast_in_dim3A_706 = vector.broadcast %broadcast_in_dim3A_705 : f32 to vector<16xf32>
      %add3A_707 = arith.constant 64 : i32
      %add3A_708 = arith.addi %mul3A_682, %add3A_707 : i32
      %swap3A_709 = arith.index_cast %add3A_708 : i32 to index
      %swap3A_710 = tpu.vector_load %arg7[%swap3A_709] {strides = array<i32>} : memref<50176xf32, #tpu.memory_space<vmem>>, vector<16xf32>,
      tpu.vector_store %arg7[%swap3A_709], %broadcast_in_dim3A_706 {strides = array<i32>} : memref<50176xf32, #tpu.memory_space<vmem>>, vector<16xf32>,
      %broadcast_in_dim3A_711 = arith.constant 0.000000e+00 : f32
      %broadcast_in_dim3A_712 = vector.broadcast %broadcast_in_dim3A_711 : f32 to vector<16xf32>
      %add3A_713 = arith.constant 80 : i32
      %add3A_714 = arith.addi %mul3A_682, %add3A_713 : i32
      %swap3A_715 = arith.index_cast %add3A_714 : i32 to index
      %swap3A_716 = tpu.vector_load %arg7[%swap3A_715] {strides = array<i32>} : memref<50176xf32, #tpu.memory_space<vmem>>, vector<16xf32>,
      tpu.vector_store %arg7[%swap3A_715], %broadcast_in_dim3A_712 {strides = array<i32>} : memref<50176xf32, #tpu.memory_space<vmem>>, vector<16xf32>,
      %broadcast_in_dim3A_717 = arith.constant 0.000000e+00 : f32
      %broadcast_in_dim3A_718 = vector.broadcast %broadcast_in_dim3A_717 : f32 to vector<16xf32>
      %add3A_719 = arith.constant 96 : i32
      %add3A_720 = arith.addi %mul3A_682, %add3A_719 : i32
      %swap3A_721 = arith.index_cast %add3A_720 : i32 to index
      %swap3A_722 = tpu.vector_load %arg7[%swap3A_721] {strides = array<i32>} : memref<50176xf32, #tpu.memory_space<vmem>>, vector<16xf32>,
      tpu.vector_store %arg7[%swap3A_721], %broadcast_in_dim3A_718 {strides = array<i32>} : memref<50176xf32, #tpu.memory_space<vmem>>, vector<16xf32>,
      %broadcast_in_dim3A_723 = arith.constant 0.000000e+00 : f32
      %broadcast_in_dim3A_724 = vector.broadcast %broadcast_in_dim3A_723 : f32 to vector<16xf32>
      %add3A_725 = arith.constant 112 : i32
      %add3A_726 = arith.addi %mul3A_682, %add3A_725 : i32
      %swap3A_727 = arith.index_cast %add3A_726 : i32 to index
      %swap3A_728 = tpu.vector_load %arg7[%swap3A_727] {strides = array<i32>} : memref<50176xf32, #tpu.memory_space<vmem>>, vector<16xf32>,
      tpu.vector_store %arg7[%swap3A_727], %broadcast_in_dim3A_724 {strides = array<i32>} : memref<50176xf32, #tpu.memory_space<vmem>>, vector<16xf32>,
      %broadcast_in_dim3A_729 = arith.constant 0.000000e+00 : f32
      %broadcast_in_dim3A_730 = vector.broadcast %broadcast_in_dim3A_729 : f32 to vector<16xf32>
      %add3A_731 = arith.constant 128 : i32
      %add3A_732 = arith.addi %mul3A_682, %add3A_731 : i32
      %swap3A_733 = arith.index_cast %add3A_732 : i32 to index
      %swap3A_734 = tpu.vector_load %arg7[%swap3A_733] {strides = array<i32>} : memref<50176xf32, #tpu.memory_space<vmem>>, vector<16xf32>,
      tpu.vector_store %arg7[%swap3A_733], %broadcast_in_dim3A_730 {strides = array<i32>} : memref<50176xf32, #tpu.memory_space<vmem>>, vector<16xf32>,
      %broadcast_in_dim3A_735 = arith.constant 0.000000e+00 : f32
      %broadcast_in_dim3A_736 = vector.broadcast %broadcast_in_dim3A_735 : f32 to vector<16xf32>
      %add3A_737 = arith.constant 144 : i32
      %add3A_738 = arith.addi %mul3A_682, %add3A_737 : i32
      %swap3A_739 = arith.index_cast %add3A_738 : i32 to index
      %swap3A_740 = tpu.vector_load %arg7[%swap3A_739] {strides = array<i32>} : memref<50176xf32, #tpu.memory_space<vmem>>, vector<16xf32>,
      tpu.vector_store %arg7[%swap3A_739], %broadcast_in_dim3A_736 {strides = array<i32>} : memref<50176xf32, #tpu.memory_space<vmem>>, vector<16xf32>,
      %broadcast_in_dim3A_741 = arith.constant 0.000000e+00 : f32
      %broadcast_in_dim3A_742 = vector.broadcast %broadcast_in_dim3A_741 : f32 to vector<16xf32>
      %add3A_743 = arith.constant 160 : i32
      %add3A_744 = arith.addi %mul3A_682, %add3A_743 : i32
      %swap3A_745 = arith.index_cast %add3A_744 : i32 to index
      %swap3A_746 = tpu.vector_load %arg7[%swap3A_745] {strides = array<i32>} : memref<50176xf32, #tpu.memory_space<vmem>>, vector<16xf32>,
      tpu.vector_store %arg7[%swap3A_745], %broadcast_in_dim3A_742 {strides = array<i32>} : memref<50176xf32, #tpu.memory_space<vmem>>, vector<16xf32>,
      %broadcast_in_dim3A_747 = arith.constant 0.000000e+00 : f32
      %broadcast_in_dim3A_748 = vector.broadcast %broadcast_in_dim3A_747 : f32 to vector<16xf32>
      %add3A_749 = arith.constant 176 : i32
      %add3A_750 = arith.addi %mul3A_682, %add3A_749 : i32
      %swap3A_751 = arith.index_cast %add3A_750 : i32 to index
      %swap3A_752 = tpu.vector_load %arg7[%swap3A_751] {strides = array<i32>} : memref<50176xf32, #tpu.memory_space<vmem>>, vector<16xf32>,
      tpu.vector_store %arg7[%swap3A_751], %broadcast_in_dim3A_748 {strides = array<i32>} : memref<50176xf32, #tpu.memory_space<vmem>>, vector<16xf32>,
      %broadcast_in_dim3A_753 = arith.constant 0.000000e+00 : f32
      %broadcast_in_dim3A_754 = vector.broadcast %broadcast_in_dim3A_753 : f32 to vector<16xf32>
      %add3A_755 = arith.constant 192 : i32
      %add3A_756 = arith.addi %mul3A_682, %add3A_755 : i32
      %swap3A_757 = arith.index_cast %add3A_756 : i32 to index
      %swap3A_758 = tpu.vector_load %arg7[%swap3A_757] {strides = array<i32>} : memref<50176xf32, #tpu.memory_space<vmem>>, vector<16xf32>,
      tpu.vector_store %arg7[%swap3A_757], %broadcast_in_dim3A_754 {strides = array<i32>} : memref<50176xf32, #tpu.memory_space<vmem>>, vector<16xf32>,
      %broadcast_in_dim3A_759 = arith.constant 0.000000e+00 : f32
      %broadcast_in_dim3A_760 = vector.broadcast %broadcast_in_dim3A_759 : f32 to vector<16xf32>
      %add3A_761 = arith.constant 208 : i32
      %add3A_762 = arith.addi %mul3A_682, %add3A_761 : i32
      %swap3A_763 = arith.index_cast %add3A_762 : i32 to index
      %swap3A_764 = tpu.vector_load %arg7[%swap3A_763] {strides = array<i32>} : memref<50176xf32, #tpu.memory_space<vmem>>, vector<16xf32>,
      tpu.vector_store %arg7[%swap3A_763], %broadcast_in_dim3A_760 {strides = array<i32>} : memref<50176xf32, #tpu.memory_space<vmem>>, vector<16xf32>,
      %broadcast_in_dim3A_765 = arith.constant 0.000000e+00 : f32
      %broadcast_in_dim3A_766 = vector.broadcast %broadcast_in_dim3A_765 : f32 to vector<16xf32>
      %add3A_767 = arith.constant 224 : i32
      %add3A_768 = arith.addi %mul3A_682, %add3A_767 : i32
      %swap3A_769 = arith.index_cast %add3A_768 : i32 to index
      %swap3A_770 = tpu.vector_load %arg7[%swap3A_769] {strides = array<i32>} : memref<50176xf32, #tpu.memory_space<vmem>>, vector<16xf32>,
      tpu.vector_store %arg7[%swap3A_769], %broadcast_in_dim3A_766 {strides = array<i32>} : memref<50176xf32, #tpu.memory_space<vmem>>, vector<16xf32>,
      %broadcast_in_dim3A_771 = arith.constant 0.000000e+00 : f32
      %broadcast_in_dim3A_772 = vector.broadcast %broadcast_in_dim3A_771 : f32 to vector<16xf32>
      %add3A_773 = arith.constant 240 : i32
      %add3A_774 = arith.addi %mul3A_682, %add3A_773 : i32
      %swap3A_775 = arith.index_cast %add3A_774 : i32 to index
      %swap3A_776 = tpu.vector_load %arg7[%swap3A_775] {strides = array<i32>} : memref<50176xf32, #tpu.memory_space<vmem>>, vector<16xf32>,
      tpu.vector_store %arg7[%swap3A_775], %broadcast_in_dim3A_772 {strides = array<i32>} : memref<50176xf32, #tpu.memory_space<vmem>>, vector<16xf32>,
    }
    %scan3A_306 = arith.constant 196 : i32
    %dma_wait3A_307 = arith.constant 0 : i32
    %dma_wait3A_308 = arith.constant 0 : i32
    %dma_wait3A_309 = tpu.memref_slice %arg2[%select_n3A_245, %sub3A_248, %dma_wait3A_307, %dma_wait3A_308] : memref<2x96x224x112xf32, #tpu.memory_space<hbm>> -> memref<1x1x224x112xf32, #tpu.memory_space<hbm>>
    %dma_wait3A_310 = tpu.memref_squeeze %dma_wait3A_309 : memref<1x1x224x112xf32, #tpu.memory_space<hbm>> -> memref<224x112xf32, #tpu.memory_space<hbm>>
    %dma_wait3A_311 = arith.constant 0 : i32
    %dma_wait3A_312 = arith.constant 0 : i32
    %dma_wait3A_313 = tpu.memref_slice %arg2[%select_n3A_245, %sub3A_248, %dma_wait3A_311, %dma_wait3A_312] : memref<2x96x224x112xf32, #tpu.memory_space<hbm>> -> memref<1x1x224x112xf32, #tpu.memory_space<hbm>>
    %dma_wait3A_314 = tpu.memref_squeeze %dma_wait3A_313 : memref<1x1x224x112xf32, #tpu.memory_space<hbm>> -> memref<224x112xf32, #tpu.memory_space<hbm>>
    tpu.wait_dma2 semaphore(%arg8 : memref<!tpu.dma_semaphore, #tpu.memory_space<semaphore_mem>>) src(%dma_wait3A_314 : memref<224x112xf32, #tpu.memory_space<hbm>>) dst(%arg5 : memref<224x112xf32, #tpu.memory_space<vmem>>)
    %dma_wait3A_315 = arith.constant 0 : i32
    %dma_wait3A_316 = arith.constant 0 : i32
    %dma_wait3A_317 = tpu.memref_slice %arg3[%select_n3A_245, %sub3A_248, %dma_wait3A_315, %dma_wait3A_316] : memref<2x96x224x112xi32, #tpu.memory_space<hbm>> -> memref<1x1x224x112xi32, #tpu.memory_space<hbm>>
    %dma_wait3A_318 = tpu.memref_squeeze %dma_wait3A_317 : memref<1x1x224x112xi32, #tpu.memory_space<hbm>> -> memref<224x112xi32, #tpu.memory_space<hbm>>
    %dma_wait3A_319 = arith.constant 0 : i32
    %dma_wait3A_320 = arith.constant 0 : i32
    %dma_wait3A_321 = tpu.memref_slice %arg3[%select_n3A_245, %sub3A_248, %dma_wait3A_319, %dma_wait3A_320] : memref<2x96x224x112xi32, #tpu.memory_space<hbm>> -> memref<1x1x224x112xi32, #tpu.memory_space<hbm>>
    %dma_wait3A_322 = tpu.memref_squeeze %dma_wait3A_321 : memref<1x1x224x112xi32, #tpu.memory_space<hbm>> -> memref<224x112xi32, #tpu.memory_space<hbm>>
    tpu.wait_dma2 semaphore(%arg8 : memref<!tpu.dma_semaphore, #tpu.memory_space<semaphore_mem>>) src(%dma_wait3A_322 : memref<224x112xi32, #tpu.memory_space<hbm>>) dst(%arg6 : memref<224x112xi32, #tpu.memory_space<vmem>>)
    %scan3A_323 = arith.constant 0 : i32
    %scan3A_324 = arith.constant 0 : i32
    %scan3A_325 = arith.constant 224 : i32
    %scan3A_326 = arith.addi %scan3A_324, %scan3A_325 : i32
    %scan3A_327 = arith.constant 1 : i32
    scf.for %scan3A_680 = %scan3A_324 to %scan3A_326 step %scan3A_327  : i32 {
      %get3A = arith.index_cast %scan3A_680 : i32 to index
      %get3A_681 = arith.constant 0 : index
      %get3A_682 = tpu.vector_load %arg6[%get3A, %get3A_681] {strides = array<i32>} : memref<224x112xi32, #tpu.memory_space<vmem>>, vector<16xi32>,
      %get3A_683 = arith.index_cast %scan3A_680 : i32 to index
      %get3A_684 = arith.constant 16 : index
      %get3A_685 = tpu.vector_load %arg6[%get3A_683, %get3A_684] {strides = array<i32>} : memref<224x112xi32, #tpu.memory_space<vmem>>, vector<16xi32>,
      %get3A_686 = arith.index_cast %scan3A_680 : i32 to index
      %get3A_687 = arith.constant 32 : index
      %get3A_688 = tpu.vector_load %arg6[%get3A_686, %get3A_687] {strides = array<i32>} : memref<224x112xi32, #tpu.memory_space<vmem>>, vector<16xi32>,
      %get3A_689 = arith.index_cast %scan3A_680 : i32 to index
      %get3A_690 = arith.constant 48 : index
      %get3A_691 = tpu.vector_load %arg6[%get3A_689, %get3A_690] {strides = array<i32>} : memref<224x112xi32, #tpu.memory_space<vmem>>, vector<16xi32>,
      %get3A_692 = arith.index_cast %scan3A_680 : i32 to index
      %get3A_693 = arith.constant 64 : index
      %get3A_694 = tpu.vector_load %arg6[%get3A_692, %get3A_693] {strides = array<i32>} : memref<224x112xi32, #tpu.memory_space<vmem>>, vector<16xi32>,
      %get3A_695 = arith.index_cast %scan3A_680 : i32 to index
      %get3A_696 = arith.constant 80 : index
      %get3A_697 = tpu.vector_load %arg6[%get3A_695, %get3A_696] {strides = array<i32>} : memref<224x112xi32, #tpu.memory_space<vmem>>, vector<16xi32>,
      %get3A_698 = arith.index_cast %scan3A_680 : i32 to index
      %get3A_699 = arith.constant 96 : index
      %get3A_700 = tpu.vector_load %arg6[%get3A_698, %get3A_699] {strides = array<i32>} : memref<224x112xi32, #tpu.memory_space<vmem>>, vector<16xi32>,
      %get3A_701 = arith.index_cast %scan3A_680 : i32 to index
      %get3A_702 = arith.constant 0 : index
      %get3A_703 = tpu.vector_load %arg5[%get3A_701, %get3A_702] {strides = array<i32>} : memref<224x112xf32, #tpu.memory_space<vmem>>, vector<16xf32>,
      %get3A_704 = arith.index_cast %scan3A_680 : i32 to index
      %get3A_705 = arith.constant 16 : index
      %get3A_706 = tpu.vector_load %arg5[%get3A_704, %get3A_705] {strides = array<i32>} : memref<224x112xf32, #tpu.memory_space<vmem>>, vector<16xf32>,
      %get3A_707 = arith.index_cast %scan3A_680 : i32 to index
      %get3A_708 = arith.constant 32 : index
      %get3A_709 = tpu.vector_load %arg5[%get3A_707, %get3A_708] {strides = array<i32>} : memref<224x112xf32, #tpu.memory_space<vmem>>, vector<16xf32>,
      %get3A_710 = arith.index_cast %scan3A_680 : i32 to index
      %get3A_711 = arith.constant 48 : index
      %get3A_712 = tpu.vector_load %arg5[%get3A_710, %get3A_711] {strides = array<i32>} : memref<224x112xf32, #tpu.memory_space<vmem>>, vector<16xf32>,
      %get3A_713 = arith.index_cast %scan3A_680 : i32 to index
      %get3A_714 = arith.constant 64 : index
      %get3A_715 = tpu.vector_load %arg5[%get3A_713, %get3A_714] {strides = array<i32>} : memref<224x112xf32, #tpu.memory_space<vmem>>, vector<16xf32>,
      %get3A_716 = arith.index_cast %scan3A_680 : i32 to index
      %get3A_717 = arith.constant 80 : index
      %get3A_718 = tpu.vector_load %arg5[%get3A_716, %get3A_717] {strides = array<i32>} : memref<224x112xf32, #tpu.memory_space<vmem>>, vector<16xf32>,
      %get3A_719 = arith.index_cast %scan3A_680 : i32 to index
      %get3A_720 = arith.constant 96 : index
      %get3A_721 = tpu.vector_load %arg5[%get3A_719, %get3A_720] {strides = array<i32>} : memref<224x112xf32, #tpu.memory_space<vmem>>, vector<16xf32>,
      tpu.vector_store_idx %arg7[%get3A_682], %get3A_703 : memref<50176xf32, #tpu.memory_space<vmem>>[vector<16xi32>], vector<16xf32>,
      tpu.vector_store_idx %arg7[%get3A_685], %get3A_706 : memref<50176xf32, #tpu.memory_space<vmem>>[vector<16xi32>], vector<16xf32>,
      tpu.vector_store_idx %arg7[%get3A_688], %get3A_709 : memref<50176xf32, #tpu.memory_space<vmem>>[vector<16xi32>], vector<16xf32>,
      tpu.vector_store_idx %arg7[%get3A_691], %get3A_712 : memref<50176xf32, #tpu.memory_space<vmem>>[vector<16xi32>], vector<16xf32>,
      tpu.vector_store_idx %arg7[%get3A_694], %get3A_715 : memref<50176xf32, #tpu.memory_space<vmem>>[vector<16xi32>], vector<16xf32>,
      tpu.vector_store_idx %arg7[%get3A_697], %get3A_718 : memref<50176xf32, #tpu.memory_space<vmem>>[vector<16xi32>], vector<16xf32>,
      tpu.vector_store_idx %arg7[%get3A_700], %get3A_721 : memref<50176xf32, #tpu.memory_space<vmem>>[vector<16xi32>], vector<16xf32>,
    }
    %scan3A_328 = arith.constant 224 : i32
    %mul3A_329 = arith.constant 50176 : i32
    %mul3A_330 = arith.muli %add3A_298, %mul3A_329 : i32
    %dma_start3A_331 = tpu.memref_slice %arg4[%mul3A_330] : memref<19267584xf32, #tpu.memory_space<hbm>> -> memref<50176xf32, #tpu.memory_space<hbm>>
    %dma_start3A_332 = tpu.memref_slice %arg4[%mul3A_330] : memref<19267584xf32, #tpu.memory_space<hbm>> -> memref<50176xf32, #tpu.memory_space<hbm>>
    tpu.enqueue_dma source(%arg7 : memref<50176xf32, #tpu.memory_space<vmem>>) target(%dma_start3A_332 : memref<50176xf32, #tpu.memory_space<hbm>>) target_semaphore(%arg9 : memref<!tpu.dma_semaphore, #tpu.memory_space<semaphore_mem>>)
    %mul3A_333 = arith.constant 6 : i32
    %mul3A_334 = arith.muli %add3A, %mul3A_333 : i32
    %add3A_335 = arith.constant 3 : i32
    %add3A_336 = arith.addi %mul3A_334, %add3A_335 : i32
    %jit3A_337 = arith.constant 96 : i32
    %div3A_338 = arith.divsi %add3A_336, %jit3A_337 : i32
    %sign3A_339 = arith.constant 0 : i32
    %sign3A_340 = arith.cmpi sgt, %add3A_336, %sign3A_339 : i32
    %sign3A_341 = arith.extui %sign3A_340 : i1 to i32
    %sign3A_342 = arith.constant 0 : i32
    %sign3A_343 = arith.cmpi slt, %add3A_336, %sign3A_342 : i32
    %sign3A_344 = arith.extui %sign3A_343 : i1 to i32
    %sign3A_345 = arith.subi %sign3A_341, %sign3A_344 : i32
    %sign3A_346 = arith.constant 0 : i32
    %sign3A_347 = arith.cmpi sgt, %jit3A_337, %sign3A_346 : i32
    %sign3A_348 = arith.extui %sign3A_347 : i1 to i32
    %sign3A_349 = arith.constant 0 : i32
    %sign3A_350 = arith.cmpi slt, %jit3A_337, %sign3A_349 : i32
    %sign3A_351 = arith.extui %sign3A_350 : i1 to i32
    %sign3A_352 = arith.subi %sign3A_348, %sign3A_351 : i32
    %ne3A_353 = arith.cmpi ne, %sign3A_345, %sign3A_352 : i32
    %rem3A_354 = arith.remsi %add3A_336, %jit3A_337 : i32
    %ne3A_355 = arith.constant 0 : i32
    %ne3A_356 = arith.cmpi ne, %rem3A_354, %ne3A_355 : i32
    %and3A_357 = arith.andi %ne3A_353, %ne3A_356 : i1
    %sub3A_358 = arith.constant 1 : i32
    %sub3A_359 = arith.subi %div3A_338, %sub3A_358 : i32
    %select_n3A_360 = arith.select %and3A_357, %sub3A_359, %div3A_338 : i32
    %mul3A_361 = arith.constant 96 : i32
    %mul3A_362 = arith.muli %select_n3A_360, %mul3A_361 : i32
    %sub3A_363 = arith.subi %add3A_336, %mul3A_362 : i32
    %dma_start3A_364 = arith.constant 0 : i32
    %dma_start3A_365 = arith.constant 0 : i32
    %dma_start3A_366 = tpu.memref_slice %arg2[%select_n3A_360, %sub3A_363, %dma_start3A_364, %dma_start3A_365] : memref<2x96x224x112xf32, #tpu.memory_space<hbm>> -> memref<1x1x224x112xf32, #tpu.memory_space<hbm>>
    %dma_start3A_367 = tpu.memref_squeeze %dma_start3A_366 : memref<1x1x224x112xf32, #tpu.memory_space<hbm>> -> memref<224x112xf32, #tpu.memory_space<hbm>>
    %dma_start3A_368 = arith.constant 0 : i32
    %dma_start3A_369 = arith.constant 0 : i32
    %dma_start3A_370 = tpu.memref_slice %arg2[%select_n3A_360, %sub3A_363, %dma_start3A_368, %dma_start3A_369] : memref<2x96x224x112xf32, #tpu.memory_space<hbm>> -> memref<1x1x224x112xf32, #tpu.memory_space<hbm>>
    %dma_start3A_371 = tpu.memref_squeeze %dma_start3A_370 : memref<1x1x224x112xf32, #tpu.memory_space<hbm>> -> memref<224x112xf32, #tpu.memory_space<hbm>>
    tpu.enqueue_dma source(%dma_start3A_371 : memref<224x112xf32, #tpu.memory_space<hbm>>) target(%arg5 : memref<224x112xf32, #tpu.memory_space<vmem>>) target_semaphore(%arg8 : memref<!tpu.dma_semaphore, #tpu.memory_space<semaphore_mem>>)
    %dma_start3A_372 = arith.constant 0 : i32
    %dma_start3A_373 = arith.constant 0 : i32
    %dma_start3A_374 = tpu.memref_slice %arg3[%select_n3A_360, %sub3A_363, %dma_start3A_372, %dma_start3A_373] : memref<2x96x224x112xi32, #tpu.memory_space<hbm>> -> memref<1x1x224x112xi32, #tpu.memory_space<hbm>>
    %dma_start3A_375 = tpu.memref_squeeze %dma_start3A_374 : memref<1x1x224x112xi32, #tpu.memory_space<hbm>> -> memref<224x112xi32, #tpu.memory_space<hbm>>
    %dma_start3A_376 = arith.constant 0 : i32
    %dma_start3A_377 = arith.constant 0 : i32
    %dma_start3A_378 = tpu.memref_slice %arg3[%select_n3A_360, %sub3A_363, %dma_start3A_376, %dma_start3A_377] : memref<2x96x224x112xi32, #tpu.memory_space<hbm>> -> memref<1x1x224x112xi32, #tpu.memory_space<hbm>>
    %dma_start3A_379 = tpu.memref_squeeze %dma_start3A_378 : memref<1x1x224x112xi32, #tpu.memory_space<hbm>> -> memref<224x112xi32, #tpu.memory_space<hbm>>
    tpu.enqueue_dma source(%dma_start3A_379 : memref<224x112xi32, #tpu.memory_space<hbm>>) target(%arg6 : memref<224x112xi32, #tpu.memory_space<vmem>>) target_semaphore(%arg8 : memref<!tpu.dma_semaphore, #tpu.memory_space<semaphore_mem>>)
    %mul3A_380 = arith.constant 6 : i32
    %mul3A_381 = arith.muli %add3A, %mul3A_380 : i32
    %add3A_382 = arith.constant 3 : i32
    %add3A_383 = arith.addi %mul3A_381, %add3A_382 : i32
    %jit3A_384 = arith.constant 96 : i32
    %div3A_385 = arith.divsi %add3A_383, %jit3A_384 : i32
    %sign3A_386 = arith.constant 0 : i32
    %sign3A_387 = arith.cmpi sgt, %add3A_383, %sign3A_386 : i32
    %sign3A_388 = arith.extui %sign3A_387 : i1 to i32
    %sign3A_389 = arith.constant 0 : i32
    %sign3A_390 = arith.cmpi slt, %add3A_383, %sign3A_389 : i32
    %sign3A_391 = arith.extui %sign3A_390 : i1 to i32
    %sign3A_392 = arith.subi %sign3A_388, %sign3A_391 : i32
    %sign3A_393 = arith.constant 0 : i32
    %sign3A_394 = arith.cmpi sgt, %jit3A_384, %sign3A_393 : i32
    %sign3A_395 = arith.extui %sign3A_394 : i1 to i32
    %sign3A_396 = arith.constant 0 : i32
    %sign3A_397 = arith.cmpi slt, %jit3A_384, %sign3A_396 : i32
    %sign3A_398 = arith.extui %sign3A_397 : i1 to i32
    %sign3A_399 = arith.subi %sign3A_395, %sign3A_398 : i32
    %ne3A_400 = arith.cmpi ne, %sign3A_392, %sign3A_399 : i32
    %rem3A_401 = arith.remsi %add3A_383, %jit3A_384 : i32
    %ne3A_402 = arith.constant 0 : i32
    %ne3A_403 = arith.cmpi ne, %rem3A_401, %ne3A_402 : i32
    %and3A_404 = arith.andi %ne3A_400, %ne3A_403 : i1
    %sub3A_405 = arith.constant 1 : i32
    %sub3A_406 = arith.subi %div3A_385, %sub3A_405 : i32
    %select_n3A_407 = arith.select %and3A_404, %sub3A_406, %div3A_385 : i32
    %mul3A_408 = arith.constant 96 : i32
    %mul3A_409 = arith.muli %select_n3A_407, %mul3A_408 : i32
    %sub3A_410 = arith.subi %add3A_383, %mul3A_409 : i32
    %mul3A_411 = arith.constant 192 : i32
    %mul3A_412 = arith.muli %select_n3A_407, %mul3A_411 : i32
    %add3A_413 = arith.addi %mul3A_412, %sub3A_410 : i32
    %dma_wait3A_414 = tpu.memref_slice %arg4[%mul3A_330] : memref<19267584xf32, #tpu.memory_space<hbm>> -> memref<50176xf32, #tpu.memory_space<hbm>>
    %dma_wait3A_415 = tpu.memref_slice %arg4[%mul3A_330] : memref<19267584xf32, #tpu.memory_space<hbm>> -> memref<50176xf32, #tpu.memory_space<hbm>>
    tpu.wait_dma2 semaphore(%arg9 : memref<!tpu.dma_semaphore, #tpu.memory_space<semaphore_mem>>) src(%arg7 : memref<50176xf32, #tpu.memory_space<vmem>>) dst(%dma_wait3A_415 : memref<50176xf32, #tpu.memory_space<hbm>>)
    %scan3A_416 = arith.constant 0 : i32
    %scan3A_417 = arith.constant 0 : i32
    %scan3A_418 = arith.constant 196 : i32
    %scan3A_419 = arith.addi %scan3A_417, %scan3A_418 : i32
    %scan3A_420 = arith.constant 1 : i32
    scf.for %scan3A_680 = %scan3A_417 to %scan3A_419 step %scan3A_420  : i32 {
      %mul3A_681 = arith.constant 256 : i32
      %mul3A_682 = arith.muli %scan3A_680, %mul3A_681 : i32
      %broadcast_in_dim3A = arith.constant 0.000000e+00 : f32
      %broadcast_in_dim3A_683 = vector.broadcast %broadcast_in_dim3A : f32 to vector<16xf32>
      %add3A_684 = arith.constant 0 : i32
      %add3A_685 = arith.addi %mul3A_682, %add3A_684 : i32
      %swap3A = arith.index_cast %add3A_685 : i32 to index
      %swap3A_686 = tpu.vector_load %arg7[%swap3A] {strides = array<i32>} : memref<50176xf32, #tpu.memory_space<vmem>>, vector<16xf32>,
      tpu.vector_store %arg7[%swap3A], %broadcast_in_dim3A_683 {strides = array<i32>} : memref<50176xf32, #tpu.memory_space<vmem>>, vector<16xf32>,
      %broadcast_in_dim3A_687 = arith.constant 0.000000e+00 : f32
      %broadcast_in_dim3A_688 = vector.broadcast %broadcast_in_dim3A_687 : f32 to vector<16xf32>
      %add3A_689 = arith.constant 16 : i32
      %add3A_690 = arith.addi %mul3A_682, %add3A_689 : i32
      %swap3A_691 = arith.index_cast %add3A_690 : i32 to index
      %swap3A_692 = tpu.vector_load %arg7[%swap3A_691] {strides = array<i32>} : memref<50176xf32, #tpu.memory_space<vmem>>, vector<16xf32>,
      tpu.vector_store %arg7[%swap3A_691], %broadcast_in_dim3A_688 {strides = array<i32>} : memref<50176xf32, #tpu.memory_space<vmem>>, vector<16xf32>,
      %broadcast_in_dim3A_693 = arith.constant 0.000000e+00 : f32
      %broadcast_in_dim3A_694 = vector.broadcast %broadcast_in_dim3A_693 : f32 to vector<16xf32>
      %add3A_695 = arith.constant 32 : i32
      %add3A_696 = arith.addi %mul3A_682, %add3A_695 : i32
      %swap3A_697 = arith.index_cast %add3A_696 : i32 to index
      %swap3A_698 = tpu.vector_load %arg7[%swap3A_697] {strides = array<i32>} : memref<50176xf32, #tpu.memory_space<vmem>>, vector<16xf32>,
      tpu.vector_store %arg7[%swap3A_697], %broadcast_in_dim3A_694 {strides = array<i32>} : memref<50176xf32, #tpu.memory_space<vmem>>, vector<16xf32>,
      %broadcast_in_dim3A_699 = arith.constant 0.000000e+00 : f32
      %broadcast_in_dim3A_700 = vector.broadcast %broadcast_in_dim3A_699 : f32 to vector<16xf32>
      %add3A_701 = arith.constant 48 : i32
      %add3A_702 = arith.addi %mul3A_682, %add3A_701 : i32
      %swap3A_703 = arith.index_cast %add3A_702 : i32 to index
      %swap3A_704 = tpu.vector_load %arg7[%swap3A_703] {strides = array<i32>} : memref<50176xf32, #tpu.memory_space<vmem>>, vector<16xf32>,
      tpu.vector_store %arg7[%swap3A_703], %broadcast_in_dim3A_700 {strides = array<i32>} : memref<50176xf32, #tpu.memory_space<vmem>>, vector<16xf32>,
      %broadcast_in_dim3A_705 = arith.constant 0.000000e+00 : f32
      %broadcast_in_dim3A_706 = vector.broadcast %broadcast_in_dim3A_705 : f32 to vector<16xf32>
      %add3A_707 = arith.constant 64 : i32
      %add3A_708 = arith.addi %mul3A_682, %add3A_707 : i32
      %swap3A_709 = arith.index_cast %add3A_708 : i32 to index
      %swap3A_710 = tpu.vector_load %arg7[%swap3A_709] {strides = array<i32>} : memref<50176xf32, #tpu.memory_space<vmem>>, vector<16xf32>,
      tpu.vector_store %arg7[%swap3A_709], %broadcast_in_dim3A_706 {strides = array<i32>} : memref<50176xf32, #tpu.memory_space<vmem>>, vector<16xf32>,
      %broadcast_in_dim3A_711 = arith.constant 0.000000e+00 : f32
      %broadcast_in_dim3A_712 = vector.broadcast %broadcast_in_dim3A_711 : f32 to vector<16xf32>
      %add3A_713 = arith.constant 80 : i32
      %add3A_714 = arith.addi %mul3A_682, %add3A_713 : i32
      %swap3A_715 = arith.index_cast %add3A_714 : i32 to index
      %swap3A_716 = tpu.vector_load %arg7[%swap3A_715] {strides = array<i32>} : memref<50176xf32, #tpu.memory_space<vmem>>, vector<16xf32>,
      tpu.vector_store %arg7[%swap3A_715], %broadcast_in_dim3A_712 {strides = array<i32>} : memref<50176xf32, #tpu.memory_space<vmem>>, vector<16xf32>,
      %broadcast_in_dim3A_717 = arith.constant 0.000000e+00 : f32
      %broadcast_in_dim3A_718 = vector.broadcast %broadcast_in_dim3A_717 : f32 to vector<16xf32>
      %add3A_719 = arith.constant 96 : i32
      %add3A_720 = arith.addi %mul3A_682, %add3A_719 : i32
      %swap3A_721 = arith.index_cast %add3A_720 : i32 to index
      %swap3A_722 = tpu.vector_load %arg7[%swap3A_721] {strides = array<i32>} : memref<50176xf32, #tpu.memory_space<vmem>>, vector<16xf32>,
      tpu.vector_store %arg7[%swap3A_721], %broadcast_in_dim3A_718 {strides = array<i32>} : memref<50176xf32, #tpu.memory_space<vmem>>, vector<16xf32>,
      %broadcast_in_dim3A_723 = arith.constant 0.000000e+00 : f32
      %broadcast_in_dim3A_724 = vector.broadcast %broadcast_in_dim3A_723 : f32 to vector<16xf32>
      %add3A_725 = arith.constant 112 : i32
      %add3A_726 = arith.addi %mul3A_682, %add3A_725 : i32
      %swap3A_727 = arith.index_cast %add3A_726 : i32 to index
      %swap3A_728 = tpu.vector_load %arg7[%swap3A_727] {strides = array<i32>} : memref<50176xf32, #tpu.memory_space<vmem>>, vector<16xf32>,
      tpu.vector_store %arg7[%swap3A_727], %broadcast_in_dim3A_724 {strides = array<i32>} : memref<50176xf32, #tpu.memory_space<vmem>>, vector<16xf32>,
      %broadcast_in_dim3A_729 = arith.constant 0.000000e+00 : f32
      %broadcast_in_dim3A_730 = vector.broadcast %broadcast_in_dim3A_729 : f32 to vector<16xf32>
      %add3A_731 = arith.constant 128 : i32
      %add3A_732 = arith.addi %mul3A_682, %add3A_731 : i32
      %swap3A_733 = arith.index_cast %add3A_732 : i32 to index
      %swap3A_734 = tpu.vector_load %arg7[%swap3A_733] {strides = array<i32>} : memref<50176xf32, #tpu.memory_space<vmem>>, vector<16xf32>,
      tpu.vector_store %arg7[%swap3A_733], %broadcast_in_dim3A_730 {strides = array<i32>} : memref<50176xf32, #tpu.memory_space<vmem>>, vector<16xf32>,
      %broadcast_in_dim3A_735 = arith.constant 0.000000e+00 : f32
      %broadcast_in_dim3A_736 = vector.broadcast %broadcast_in_dim3A_735 : f32 to vector<16xf32>
      %add3A_737 = arith.constant 144 : i32
      %add3A_738 = arith.addi %mul3A_682, %add3A_737 : i32
      %swap3A_739 = arith.index_cast %add3A_738 : i32 to index
      %swap3A_740 = tpu.vector_load %arg7[%swap3A_739] {strides = array<i32>} : memref<50176xf32, #tpu.memory_space<vmem>>, vector<16xf32>,
      tpu.vector_store %arg7[%swap3A_739], %broadcast_in_dim3A_736 {strides = array<i32>} : memref<50176xf32, #tpu.memory_space<vmem>>, vector<16xf32>,
      %broadcast_in_dim3A_741 = arith.constant 0.000000e+00 : f32
      %broadcast_in_dim3A_742 = vector.broadcast %broadcast_in_dim3A_741 : f32 to vector<16xf32>
      %add3A_743 = arith.constant 160 : i32
      %add3A_744 = arith.addi %mul3A_682, %add3A_743 : i32
      %swap3A_745 = arith.index_cast %add3A_744 : i32 to index
      %swap3A_746 = tpu.vector_load %arg7[%swap3A_745] {strides = array<i32>} : memref<50176xf32, #tpu.memory_space<vmem>>, vector<16xf32>,
      tpu.vector_store %arg7[%swap3A_745], %broadcast_in_dim3A_742 {strides = array<i32>} : memref<50176xf32, #tpu.memory_space<vmem>>, vector<16xf32>,
      %broadcast_in_dim3A_747 = arith.constant 0.000000e+00 : f32
      %broadcast_in_dim3A_748 = vector.broadcast %broadcast_in_dim3A_747 : f32 to vector<16xf32>
      %add3A_749 = arith.constant 176 : i32
      %add3A_750 = arith.addi %mul3A_682, %add3A_749 : i32
      %swap3A_751 = arith.index_cast %add3A_750 : i32 to index
      %swap3A_752 = tpu.vector_load %arg7[%swap3A_751] {strides = array<i32>} : memref<50176xf32, #tpu.memory_space<vmem>>, vector<16xf32>,
      tpu.vector_store %arg7[%swap3A_751], %broadcast_in_dim3A_748 {strides = array<i32>} : memref<50176xf32, #tpu.memory_space<vmem>>, vector<16xf32>,
      %broadcast_in_dim3A_753 = arith.constant 0.000000e+00 : f32
      %broadcast_in_dim3A_754 = vector.broadcast %broadcast_in_dim3A_753 : f32 to vector<16xf32>
      %add3A_755 = arith.constant 192 : i32
      %add3A_756 = arith.addi %mul3A_682, %add3A_755 : i32
      %swap3A_757 = arith.index_cast %add3A_756 : i32 to index
      %swap3A_758 = tpu.vector_load %arg7[%swap3A_757] {strides = array<i32>} : memref<50176xf32, #tpu.memory_space<vmem>>, vector<16xf32>,
      tpu.vector_store %arg7[%swap3A_757], %broadcast_in_dim3A_754 {strides = array<i32>} : memref<50176xf32, #tpu.memory_space<vmem>>, vector<16xf32>,
      %broadcast_in_dim3A_759 = arith.constant 0.000000e+00 : f32
      %broadcast_in_dim3A_760 = vector.broadcast %broadcast_in_dim3A_759 : f32 to vector<16xf32>
      %add3A_761 = arith.constant 208 : i32
      %add3A_762 = arith.addi %mul3A_682, %add3A_761 : i32
      %swap3A_763 = arith.index_cast %add3A_762 : i32 to index
      %swap3A_764 = tpu.vector_load %arg7[%swap3A_763] {strides = array<i32>} : memref<50176xf32, #tpu.memory_space<vmem>>, vector<16xf32>,
      tpu.vector_store %arg7[%swap3A_763], %broadcast_in_dim3A_760 {strides = array<i32>} : memref<50176xf32, #tpu.memory_space<vmem>>, vector<16xf32>,
      %broadcast_in_dim3A_765 = arith.constant 0.000000e+00 : f32
      %broadcast_in_dim3A_766 = vector.broadcast %broadcast_in_dim3A_765 : f32 to vector<16xf32>
      %add3A_767 = arith.constant 224 : i32
      %add3A_768 = arith.addi %mul3A_682, %add3A_767 : i32
      %swap3A_769 = arith.index_cast %add3A_768 : i32 to index
      %swap3A_770 = tpu.vector_load %arg7[%swap3A_769] {strides = array<i32>} : memref<50176xf32, #tpu.memory_space<vmem>>, vector<16xf32>,
      tpu.vector_store %arg7[%swap3A_769], %broadcast_in_dim3A_766 {strides = array<i32>} : memref<50176xf32, #tpu.memory_space<vmem>>, vector<16xf32>,
      %broadcast_in_dim3A_771 = arith.constant 0.000000e+00 : f32
      %broadcast_in_dim3A_772 = vector.broadcast %broadcast_in_dim3A_771 : f32 to vector<16xf32>
      %add3A_773 = arith.constant 240 : i32
      %add3A_774 = arith.addi %mul3A_682, %add3A_773 : i32
      %swap3A_775 = arith.index_cast %add3A_774 : i32 to index
      %swap3A_776 = tpu.vector_load %arg7[%swap3A_775] {strides = array<i32>} : memref<50176xf32, #tpu.memory_space<vmem>>, vector<16xf32>,
      tpu.vector_store %arg7[%swap3A_775], %broadcast_in_dim3A_772 {strides = array<i32>} : memref<50176xf32, #tpu.memory_space<vmem>>, vector<16xf32>,
    }
    %scan3A_421 = arith.constant 196 : i32
    %dma_wait3A_422 = arith.constant 0 : i32
    %dma_wait3A_423 = arith.constant 0 : i32
    %dma_wait3A_424 = tpu.memref_slice %arg2[%select_n3A_360, %sub3A_363, %dma_wait3A_422, %dma_wait3A_423] : memref<2x96x224x112xf32, #tpu.memory_space<hbm>> -> memref<1x1x224x112xf32, #tpu.memory_space<hbm>>
    %dma_wait3A_425 = tpu.memref_squeeze %dma_wait3A_424 : memref<1x1x224x112xf32, #tpu.memory_space<hbm>> -> memref<224x112xf32, #tpu.memory_space<hbm>>
    %dma_wait3A_426 = arith.constant 0 : i32
    %dma_wait3A_427 = arith.constant 0 : i32
    %dma_wait3A_428 = tpu.memref_slice %arg2[%select_n3A_360, %sub3A_363, %dma_wait3A_426, %dma_wait3A_427] : memref<2x96x224x112xf32, #tpu.memory_space<hbm>> -> memref<1x1x224x112xf32, #tpu.memory_space<hbm>>
    %dma_wait3A_429 = tpu.memref_squeeze %dma_wait3A_428 : memref<1x1x224x112xf32, #tpu.memory_space<hbm>> -> memref<224x112xf32, #tpu.memory_space<hbm>>
    tpu.wait_dma2 semaphore(%arg8 : memref<!tpu.dma_semaphore, #tpu.memory_space<semaphore_mem>>) src(%dma_wait3A_429 : memref<224x112xf32, #tpu.memory_space<hbm>>) dst(%arg5 : memref<224x112xf32, #tpu.memory_space<vmem>>)
    %dma_wait3A_430 = arith.constant 0 : i32
    %dma_wait3A_431 = arith.constant 0 : i32
    %dma_wait3A_432 = tpu.memref_slice %arg3[%select_n3A_360, %sub3A_363, %dma_wait3A_430, %dma_wait3A_431] : memref<2x96x224x112xi32, #tpu.memory_space<hbm>> -> memref<1x1x224x112xi32, #tpu.memory_space<hbm>>
    %dma_wait3A_433 = tpu.memref_squeeze %dma_wait3A_432 : memref<1x1x224x112xi32, #tpu.memory_space<hbm>> -> memref<224x112xi32, #tpu.memory_space<hbm>>
    %dma_wait3A_434 = arith.constant 0 : i32
    %dma_wait3A_435 = arith.constant 0 : i32
    %dma_wait3A_436 = tpu.memref_slice %arg3[%select_n3A_360, %sub3A_363, %dma_wait3A_434, %dma_wait3A_435] : memref<2x96x224x112xi32, #tpu.memory_space<hbm>> -> memref<1x1x224x112xi32, #tpu.memory_space<hbm>>
    %dma_wait3A_437 = tpu.memref_squeeze %dma_wait3A_436 : memref<1x1x224x112xi32, #tpu.memory_space<hbm>> -> memref<224x112xi32, #tpu.memory_space<hbm>>
    tpu.wait_dma2 semaphore(%arg8 : memref<!tpu.dma_semaphore, #tpu.memory_space<semaphore_mem>>) src(%dma_wait3A_437 : memref<224x112xi32, #tpu.memory_space<hbm>>) dst(%arg6 : memref<224x112xi32, #tpu.memory_space<vmem>>)
    %scan3A_438 = arith.constant 0 : i32
    %scan3A_439 = arith.constant 0 : i32
    %scan3A_440 = arith.constant 224 : i32
    %scan3A_441 = arith.addi %scan3A_439, %scan3A_440 : i32
    %scan3A_442 = arith.constant 1 : i32
    scf.for %scan3A_680 = %scan3A_439 to %scan3A_441 step %scan3A_442  : i32 {
      %get3A = arith.index_cast %scan3A_680 : i32 to index
      %get3A_681 = arith.constant 0 : index
      %get3A_682 = tpu.vector_load %arg6[%get3A, %get3A_681] {strides = array<i32>} : memref<224x112xi32, #tpu.memory_space<vmem>>, vector<16xi32>,
      %get3A_683 = arith.index_cast %scan3A_680 : i32 to index
      %get3A_684 = arith.constant 16 : index
      %get3A_685 = tpu.vector_load %arg6[%get3A_683, %get3A_684] {strides = array<i32>} : memref<224x112xi32, #tpu.memory_space<vmem>>, vector<16xi32>,
      %get3A_686 = arith.index_cast %scan3A_680 : i32 to index
      %get3A_687 = arith.constant 32 : index
      %get3A_688 = tpu.vector_load %arg6[%get3A_686, %get3A_687] {strides = array<i32>} : memref<224x112xi32, #tpu.memory_space<vmem>>, vector<16xi32>,
      %get3A_689 = arith.index_cast %scan3A_680 : i32 to index
      %get3A_690 = arith.constant 48 : index
      %get3A_691 = tpu.vector_load %arg6[%get3A_689, %get3A_690] {strides = array<i32>} : memref<224x112xi32, #tpu.memory_space<vmem>>, vector<16xi32>,
      %get3A_692 = arith.index_cast %scan3A_680 : i32 to index
      %get3A_693 = arith.constant 64 : index
      %get3A_694 = tpu.vector_load %arg6[%get3A_692, %get3A_693] {strides = array<i32>} : memref<224x112xi32, #tpu.memory_space<vmem>>, vector<16xi32>,
      %get3A_695 = arith.index_cast %scan3A_680 : i32 to index
      %get3A_696 = arith.constant 80 : index
      %get3A_697 = tpu.vector_load %arg6[%get3A_695, %get3A_696] {strides = array<i32>} : memref<224x112xi32, #tpu.memory_space<vmem>>, vector<16xi32>,
      %get3A_698 = arith.index_cast %scan3A_680 : i32 to index
      %get3A_699 = arith.constant 96 : index
      %get3A_700 = tpu.vector_load %arg6[%get3A_698, %get3A_699] {strides = array<i32>} : memref<224x112xi32, #tpu.memory_space<vmem>>, vector<16xi32>,
      %get3A_701 = arith.index_cast %scan3A_680 : i32 to index
      %get3A_702 = arith.constant 0 : index
      %get3A_703 = tpu.vector_load %arg5[%get3A_701, %get3A_702] {strides = array<i32>} : memref<224x112xf32, #tpu.memory_space<vmem>>, vector<16xf32>,
      %get3A_704 = arith.index_cast %scan3A_680 : i32 to index
      %get3A_705 = arith.constant 16 : index
      %get3A_706 = tpu.vector_load %arg5[%get3A_704, %get3A_705] {strides = array<i32>} : memref<224x112xf32, #tpu.memory_space<vmem>>, vector<16xf32>,
      %get3A_707 = arith.index_cast %scan3A_680 : i32 to index
      %get3A_708 = arith.constant 32 : index
      %get3A_709 = tpu.vector_load %arg5[%get3A_707, %get3A_708] {strides = array<i32>} : memref<224x112xf32, #tpu.memory_space<vmem>>, vector<16xf32>,
      %get3A_710 = arith.index_cast %scan3A_680 : i32 to index
      %get3A_711 = arith.constant 48 : index
      %get3A_712 = tpu.vector_load %arg5[%get3A_710, %get3A_711] {strides = array<i32>} : memref<224x112xf32, #tpu.memory_space<vmem>>, vector<16xf32>,
      %get3A_713 = arith.index_cast %scan3A_680 : i32 to index
      %get3A_714 = arith.constant 64 : index
      %get3A_715 = tpu.vector_load %arg5[%get3A_713, %get3A_714] {strides = array<i32>} : memref<224x112xf32, #tpu.memory_space<vmem>>, vector<16xf32>,
      %get3A_716 = arith.index_cast %scan3A_680 : i32 to index
      %get3A_717 = arith.constant 80 : index
      %get3A_718 = tpu.vector_load %arg5[%get3A_716, %get3A_717] {strides = array<i32>} : memref<224x112xf32, #tpu.memory_space<vmem>>, vector<16xf32>,
      %get3A_719 = arith.index_cast %scan3A_680 : i32 to index
      %get3A_720 = arith.constant 96 : index
      %get3A_721 = tpu.vector_load %arg5[%get3A_719, %get3A_720] {strides = array<i32>} : memref<224x112xf32, #tpu.memory_space<vmem>>, vector<16xf32>,
      tpu.vector_store_idx %arg7[%get3A_682], %get3A_703 : memref<50176xf32, #tpu.memory_space<vmem>>[vector<16xi32>], vector<16xf32>,
      tpu.vector_store_idx %arg7[%get3A_685], %get3A_706 : memref<50176xf32, #tpu.memory_space<vmem>>[vector<16xi32>], vector<16xf32>,
      tpu.vector_store_idx %arg7[%get3A_688], %get3A_709 : memref<50176xf32, #tpu.memory_space<vmem>>[vector<16xi32>], vector<16xf32>,
      tpu.vector_store_idx %arg7[%get3A_691], %get3A_712 : memref<50176xf32, #tpu.memory_space<vmem>>[vector<16xi32>], vector<16xf32>,
      tpu.vector_store_idx %arg7[%get3A_694], %get3A_715 : memref<50176xf32, #tpu.memory_space<vmem>>[vector<16xi32>], vector<16xf32>,
      tpu.vector_store_idx %arg7[%get3A_697], %get3A_718 : memref<50176xf32, #tpu.memory_space<vmem>>[vector<16xi32>], vector<16xf32>,
      tpu.vector_store_idx %arg7[%get3A_700], %get3A_721 : memref<50176xf32, #tpu.memory_space<vmem>>[vector<16xi32>], vector<16xf32>,
    }
    %scan3A_443 = arith.constant 224 : i32
    %mul3A_444 = arith.constant 50176 : i32
    %mul3A_445 = arith.muli %add3A_413, %mul3A_444 : i32
    %dma_start3A_446 = tpu.memref_slice %arg4[%mul3A_445] : memref<19267584xf32, #tpu.memory_space<hbm>> -> memref<50176xf32, #tpu.memory_space<hbm>>
    %dma_start3A_447 = tpu.memref_slice %arg4[%mul3A_445] : memref<19267584xf32, #tpu.memory_space<hbm>> -> memref<50176xf32, #tpu.memory_space<hbm>>
    tpu.enqueue_dma source(%arg7 : memref<50176xf32, #tpu.memory_space<vmem>>) target(%dma_start3A_447 : memref<50176xf32, #tpu.memory_space<hbm>>) target_semaphore(%arg9 : memref<!tpu.dma_semaphore, #tpu.memory_space<semaphore_mem>>)
    %mul3A_448 = arith.constant 6 : i32
    %mul3A_449 = arith.muli %add3A, %mul3A_448 : i32
    %add3A_450 = arith.constant 4 : i32
    %add3A_451 = arith.addi %mul3A_449, %add3A_450 : i32
    %jit3A_452 = arith.constant 96 : i32
    %div3A_453 = arith.divsi %add3A_451, %jit3A_452 : i32
    %sign3A_454 = arith.constant 0 : i32
    %sign3A_455 = arith.cmpi sgt, %add3A_451, %sign3A_454 : i32
    %sign3A_456 = arith.extui %sign3A_455 : i1 to i32
    %sign3A_457 = arith.constant 0 : i32
    %sign3A_458 = arith.cmpi slt, %add3A_451, %sign3A_457 : i32
    %sign3A_459 = arith.extui %sign3A_458 : i1 to i32
    %sign3A_460 = arith.subi %sign3A_456, %sign3A_459 : i32
    %sign3A_461 = arith.constant 0 : i32
    %sign3A_462 = arith.cmpi sgt, %jit3A_452, %sign3A_461 : i32
    %sign3A_463 = arith.extui %sign3A_462 : i1 to i32
    %sign3A_464 = arith.constant 0 : i32
    %sign3A_465 = arith.cmpi slt, %jit3A_452, %sign3A_464 : i32
    %sign3A_466 = arith.extui %sign3A_465 : i1 to i32
    %sign3A_467 = arith.subi %sign3A_463, %sign3A_466 : i32
    %ne3A_468 = arith.cmpi ne, %sign3A_460, %sign3A_467 : i32
    %rem3A_469 = arith.remsi %add3A_451, %jit3A_452 : i32
    %ne3A_470 = arith.constant 0 : i32
    %ne3A_471 = arith.cmpi ne, %rem3A_469, %ne3A_470 : i32
    %and3A_472 = arith.andi %ne3A_468, %ne3A_471 : i1
    %sub3A_473 = arith.constant 1 : i32
    %sub3A_474 = arith.subi %div3A_453, %sub3A_473 : i32
    %select_n3A_475 = arith.select %and3A_472, %sub3A_474, %div3A_453 : i32
    %mul3A_476 = arith.constant 96 : i32
    %mul3A_477 = arith.muli %select_n3A_475, %mul3A_476 : i32
    %sub3A_478 = arith.subi %add3A_451, %mul3A_477 : i32
    %dma_start3A_479 = arith.constant 0 : i32
    %dma_start3A_480 = arith.constant 0 : i32
    %dma_start3A_481 = tpu.memref_slice %arg2[%select_n3A_475, %sub3A_478, %dma_start3A_479, %dma_start3A_480] : memref<2x96x224x112xf32, #tpu.memory_space<hbm>> -> memref<1x1x224x112xf32, #tpu.memory_space<hbm>>
    %dma_start3A_482 = tpu.memref_squeeze %dma_start3A_481 : memref<1x1x224x112xf32, #tpu.memory_space<hbm>> -> memref<224x112xf32, #tpu.memory_space<hbm>>
    %dma_start3A_483 = arith.constant 0 : i32
    %dma_start3A_484 = arith.constant 0 : i32
    %dma_start3A_485 = tpu.memref_slice %arg2[%select_n3A_475, %sub3A_478, %dma_start3A_483, %dma_start3A_484] : memref<2x96x224x112xf32, #tpu.memory_space<hbm>> -> memref<1x1x224x112xf32, #tpu.memory_space<hbm>>
    %dma_start3A_486 = tpu.memref_squeeze %dma_start3A_485 : memref<1x1x224x112xf32, #tpu.memory_space<hbm>> -> memref<224x112xf32, #tpu.memory_space<hbm>>
    tpu.enqueue_dma source(%dma_start3A_486 : memref<224x112xf32, #tpu.memory_space<hbm>>) target(%arg5 : memref<224x112xf32, #tpu.memory_space<vmem>>) target_semaphore(%arg8 : memref<!tpu.dma_semaphore, #tpu.memory_space<semaphore_mem>>)
    %dma_start3A_487 = arith.constant 0 : i32
    %dma_start3A_488 = arith.constant 0 : i32
    %dma_start3A_489 = tpu.memref_slice %arg3[%select_n3A_475, %sub3A_478, %dma_start3A_487, %dma_start3A_488] : memref<2x96x224x112xi32, #tpu.memory_space<hbm>> -> memref<1x1x224x112xi32, #tpu.memory_space<hbm>>
    %dma_start3A_490 = tpu.memref_squeeze %dma_start3A_489 : memref<1x1x224x112xi32, #tpu.memory_space<hbm>> -> memref<224x112xi32, #tpu.memory_space<hbm>>
    %dma_start3A_491 = arith.constant 0 : i32
    %dma_start3A_492 = arith.constant 0 : i32
    %dma_start3A_493 = tpu.memref_slice %arg3[%select_n3A_475, %sub3A_478, %dma_start3A_491, %dma_start3A_492] : memref<2x96x224x112xi32, #tpu.memory_space<hbm>> -> memref<1x1x224x112xi32, #tpu.memory_space<hbm>>
    %dma_start3A_494 = tpu.memref_squeeze %dma_start3A_493 : memref<1x1x224x112xi32, #tpu.memory_space<hbm>> -> memref<224x112xi32, #tpu.memory_space<hbm>>
    tpu.enqueue_dma source(%dma_start3A_494 : memref<224x112xi32, #tpu.memory_space<hbm>>) target(%arg6 : memref<224x112xi32, #tpu.memory_space<vmem>>) target_semaphore(%arg8 : memref<!tpu.dma_semaphore, #tpu.memory_space<semaphore_mem>>)
    %mul3A_495 = arith.constant 6 : i32
    %mul3A_496 = arith.muli %add3A, %mul3A_495 : i32
    %add3A_497 = arith.constant 4 : i32
    %add3A_498 = arith.addi %mul3A_496, %add3A_497 : i32
    %jit3A_499 = arith.constant 96 : i32
    %div3A_500 = arith.divsi %add3A_498, %jit3A_499 : i32
    %sign3A_501 = arith.constant 0 : i32
    %sign3A_502 = arith.cmpi sgt, %add3A_498, %sign3A_501 : i32
    %sign3A_503 = arith.extui %sign3A_502 : i1 to i32
    %sign3A_504 = arith.constant 0 : i32
    %sign3A_505 = arith.cmpi slt, %add3A_498, %sign3A_504 : i32
    %sign3A_506 = arith.extui %sign3A_505 : i1 to i32
    %sign3A_507 = arith.subi %sign3A_503, %sign3A_506 : i32
    %sign3A_508 = arith.constant 0 : i32
    %sign3A_509 = arith.cmpi sgt, %jit3A_499, %sign3A_508 : i32
    %sign3A_510 = arith.extui %sign3A_509 : i1 to i32
    %sign3A_511 = arith.constant 0 : i32
    %sign3A_512 = arith.cmpi slt, %jit3A_499, %sign3A_511 : i32
    %sign3A_513 = arith.extui %sign3A_512 : i1 to i32
    %sign3A_514 = arith.subi %sign3A_510, %sign3A_513 : i32
    %ne3A_515 = arith.cmpi ne, %sign3A_507, %sign3A_514 : i32
    %rem3A_516 = arith.remsi %add3A_498, %jit3A_499 : i32
    %ne3A_517 = arith.constant 0 : i32
    %ne3A_518 = arith.cmpi ne, %rem3A_516, %ne3A_517 : i32
    %and3A_519 = arith.andi %ne3A_515, %ne3A_518 : i1
    %sub3A_520 = arith.constant 1 : i32
    %sub3A_521 = arith.subi %div3A_500, %sub3A_520 : i32
    %select_n3A_522 = arith.select %and3A_519, %sub3A_521, %div3A_500 : i32
    %mul3A_523 = arith.constant 96 : i32
    %mul3A_524 = arith.muli %select_n3A_522, %mul3A_523 : i32
    %sub3A_525 = arith.subi %add3A_498, %mul3A_524 : i32
    %mul3A_526 = arith.constant 192 : i32
    %mul3A_527 = arith.muli %select_n3A_522, %mul3A_526 : i32
    %add3A_528 = arith.addi %mul3A_527, %sub3A_525 : i32
    %dma_wait3A_529 = tpu.memref_slice %arg4[%mul3A_445] : memref<19267584xf32, #tpu.memory_space<hbm>> -> memref<50176xf32, #tpu.memory_space<hbm>>
    %dma_wait3A_530 = tpu.memref_slice %arg4[%mul3A_445] : memref<19267584xf32, #tpu.memory_space<hbm>> -> memref<50176xf32, #tpu.memory_space<hbm>>
    tpu.wait_dma2 semaphore(%arg9 : memref<!tpu.dma_semaphore, #tpu.memory_space<semaphore_mem>>) src(%arg7 : memref<50176xf32, #tpu.memory_space<vmem>>) dst(%dma_wait3A_530 : memref<50176xf32, #tpu.memory_space<hbm>>)
    %scan3A_531 = arith.constant 0 : i32
    %scan3A_532 = arith.constant 0 : i32
    %scan3A_533 = arith.constant 196 : i32
    %scan3A_534 = arith.addi %scan3A_532, %scan3A_533 : i32
    %scan3A_535 = arith.constant 1 : i32
    scf.for %scan3A_680 = %scan3A_532 to %scan3A_534 step %scan3A_535  : i32 {
      %mul3A_681 = arith.constant 256 : i32
      %mul3A_682 = arith.muli %scan3A_680, %mul3A_681 : i32
      %broadcast_in_dim3A = arith.constant 0.000000e+00 : f32
      %broadcast_in_dim3A_683 = vector.broadcast %broadcast_in_dim3A : f32 to vector<16xf32>
      %add3A_684 = arith.constant 0 : i32
      %add3A_685 = arith.addi %mul3A_682, %add3A_684 : i32
      %swap3A = arith.index_cast %add3A_685 : i32 to index
      %swap3A_686 = tpu.vector_load %arg7[%swap3A] {strides = array<i32>} : memref<50176xf32, #tpu.memory_space<vmem>>, vector<16xf32>,
      tpu.vector_store %arg7[%swap3A], %broadcast_in_dim3A_683 {strides = array<i32>} : memref<50176xf32, #tpu.memory_space<vmem>>, vector<16xf32>,
      %broadcast_in_dim3A_687 = arith.constant 0.000000e+00 : f32
      %broadcast_in_dim3A_688 = vector.broadcast %broadcast_in_dim3A_687 : f32 to vector<16xf32>
      %add3A_689 = arith.constant 16 : i32
      %add3A_690 = arith.addi %mul3A_682, %add3A_689 : i32
      %swap3A_691 = arith.index_cast %add3A_690 : i32 to index
      %swap3A_692 = tpu.vector_load %arg7[%swap3A_691] {strides = array<i32>} : memref<50176xf32, #tpu.memory_space<vmem>>, vector<16xf32>,
      tpu.vector_store %arg7[%swap3A_691], %broadcast_in_dim3A_688 {strides = array<i32>} : memref<50176xf32, #tpu.memory_space<vmem>>, vector<16xf32>,
      %broadcast_in_dim3A_693 = arith.constant 0.000000e+00 : f32
      %broadcast_in_dim3A_694 = vector.broadcast %broadcast_in_dim3A_693 : f32 to vector<16xf32>
      %add3A_695 = arith.constant 32 : i32
      %add3A_696 = arith.addi %mul3A_682, %add3A_695 : i32
      %swap3A_697 = arith.index_cast %add3A_696 : i32 to index
      %swap3A_698 = tpu.vector_load %arg7[%swap3A_697] {strides = array<i32>} : memref<50176xf32, #tpu.memory_space<vmem>>, vector<16xf32>,
      tpu.vector_store %arg7[%swap3A_697], %broadcast_in_dim3A_694 {strides = array<i32>} : memref<50176xf32, #tpu.memory_space<vmem>>, vector<16xf32>,
      %broadcast_in_dim3A_699 = arith.constant 0.000000e+00 : f32
      %broadcast_in_dim3A_700 = vector.broadcast %broadcast_in_dim3A_699 : f32 to vector<16xf32>
      %add3A_701 = arith.constant 48 : i32
      %add3A_702 = arith.addi %mul3A_682, %add3A_701 : i32
      %swap3A_703 = arith.index_cast %add3A_702 : i32 to index
      %swap3A_704 = tpu.vector_load %arg7[%swap3A_703] {strides = array<i32>} : memref<50176xf32, #tpu.memory_space<vmem>>, vector<16xf32>,
      tpu.vector_store %arg7[%swap3A_703], %broadcast_in_dim3A_700 {strides = array<i32>} : memref<50176xf32, #tpu.memory_space<vmem>>, vector<16xf32>,
      %broadcast_in_dim3A_705 = arith.constant 0.000000e+00 : f32
      %broadcast_in_dim3A_706 = vector.broadcast %broadcast_in_dim3A_705 : f32 to vector<16xf32>
      %add3A_707 = arith.constant 64 : i32
      %add3A_708 = arith.addi %mul3A_682, %add3A_707 : i32
      %swap3A_709 = arith.index_cast %add3A_708 : i32 to index
      %swap3A_710 = tpu.vector_load %arg7[%swap3A_709] {strides = array<i32>} : memref<50176xf32, #tpu.memory_space<vmem>>, vector<16xf32>,
      tpu.vector_store %arg7[%swap3A_709], %broadcast_in_dim3A_706 {strides = array<i32>} : memref<50176xf32, #tpu.memory_space<vmem>>, vector<16xf32>,
      %broadcast_in_dim3A_711 = arith.constant 0.000000e+00 : f32
      %broadcast_in_dim3A_712 = vector.broadcast %broadcast_in_dim3A_711 : f32 to vector<16xf32>
      %add3A_713 = arith.constant 80 : i32
      %add3A_714 = arith.addi %mul3A_682, %add3A_713 : i32
      %swap3A_715 = arith.index_cast %add3A_714 : i32 to index
      %swap3A_716 = tpu.vector_load %arg7[%swap3A_715] {strides = array<i32>} : memref<50176xf32, #tpu.memory_space<vmem>>, vector<16xf32>,
      tpu.vector_store %arg7[%swap3A_715], %broadcast_in_dim3A_712 {strides = array<i32>} : memref<50176xf32, #tpu.memory_space<vmem>>, vector<16xf32>,
      %broadcast_in_dim3A_717 = arith.constant 0.000000e+00 : f32
      %broadcast_in_dim3A_718 = vector.broadcast %broadcast_in_dim3A_717 : f32 to vector<16xf32>
      %add3A_719 = arith.constant 96 : i32
      %add3A_720 = arith.addi %mul3A_682, %add3A_719 : i32
      %swap3A_721 = arith.index_cast %add3A_720 : i32 to index
      %swap3A_722 = tpu.vector_load %arg7[%swap3A_721] {strides = array<i32>} : memref<50176xf32, #tpu.memory_space<vmem>>, vector<16xf32>,
      tpu.vector_store %arg7[%swap3A_721], %broadcast_in_dim3A_718 {strides = array<i32>} : memref<50176xf32, #tpu.memory_space<vmem>>, vector<16xf32>,
      %broadcast_in_dim3A_723 = arith.constant 0.000000e+00 : f32
      %broadcast_in_dim3A_724 = vector.broadcast %broadcast_in_dim3A_723 : f32 to vector<16xf32>
      %add3A_725 = arith.constant 112 : i32
      %add3A_726 = arith.addi %mul3A_682, %add3A_725 : i32
      %swap3A_727 = arith.index_cast %add3A_726 : i32 to index
      %swap3A_728 = tpu.vector_load %arg7[%swap3A_727] {strides = array<i32>} : memref<50176xf32, #tpu.memory_space<vmem>>, vector<16xf32>,
      tpu.vector_store %arg7[%swap3A_727], %broadcast_in_dim3A_724 {strides = array<i32>} : memref<50176xf32, #tpu.memory_space<vmem>>, vector<16xf32>,
      %broadcast_in_dim3A_729 = arith.constant 0.000000e+00 : f32
      %broadcast_in_dim3A_730 = vector.broadcast %broadcast_in_dim3A_729 : f32 to vector<16xf32>
      %add3A_731 = arith.constant 128 : i32
      %add3A_732 = arith.addi %mul3A_682, %add3A_731 : i32
      %swap3A_733 = arith.index_cast %add3A_732 : i32 to index
      %swap3A_734 = tpu.vector_load %arg7[%swap3A_733] {strides = array<i32>} : memref<50176xf32, #tpu.memory_space<vmem>>, vector<16xf32>,
      tpu.vector_store %arg7[%swap3A_733], %broadcast_in_dim3A_730 {strides = array<i32>} : memref<50176xf32, #tpu.memory_space<vmem>>, vector<16xf32>,
      %broadcast_in_dim3A_735 = arith.constant 0.000000e+00 : f32
      %broadcast_in_dim3A_736 = vector.broadcast %broadcast_in_dim3A_735 : f32 to vector<16xf32>
      %add3A_737 = arith.constant 144 : i32
      %add3A_738 = arith.addi %mul3A_682, %add3A_737 : i32
      %swap3A_739 = arith.index_cast %add3A_738 : i32 to index
      %swap3A_740 = tpu.vector_load %arg7[%swap3A_739] {strides = array<i32>} : memref<50176xf32, #tpu.memory_space<vmem>>, vector<16xf32>,
      tpu.vector_store %arg7[%swap3A_739], %broadcast_in_dim3A_736 {strides = array<i32>} : memref<50176xf32, #tpu.memory_space<vmem>>, vector<16xf32>,
      %broadcast_in_dim3A_741 = arith.constant 0.000000e+00 : f32
      %broadcast_in_dim3A_742 = vector.broadcast %broadcast_in_dim3A_741 : f32 to vector<16xf32>
      %add3A_743 = arith.constant 160 : i32
      %add3A_744 = arith.addi %mul3A_682, %add3A_743 : i32
      %swap3A_745 = arith.index_cast %add3A_744 : i32 to index
      %swap3A_746 = tpu.vector_load %arg7[%swap3A_745] {strides = array<i32>} : memref<50176xf32, #tpu.memory_space<vmem>>, vector<16xf32>,
      tpu.vector_store %arg7[%swap3A_745], %broadcast_in_dim3A_742 {strides = array<i32>} : memref<50176xf32, #tpu.memory_space<vmem>>, vector<16xf32>,
      %broadcast_in_dim3A_747 = arith.constant 0.000000e+00 : f32
      %broadcast_in_dim3A_748 = vector.broadcast %broadcast_in_dim3A_747 : f32 to vector<16xf32>
      %add3A_749 = arith.constant 176 : i32
      %add3A_750 = arith.addi %mul3A_682, %add3A_749 : i32
      %swap3A_751 = arith.index_cast %add3A_750 : i32 to index
      %swap3A_752 = tpu.vector_load %arg7[%swap3A_751] {strides = array<i32>} : memref<50176xf32, #tpu.memory_space<vmem>>, vector<16xf32>,
      tpu.vector_store %arg7[%swap3A_751], %broadcast_in_dim3A_748 {strides = array<i32>} : memref<50176xf32, #tpu.memory_space<vmem>>, vector<16xf32>,
      %broadcast_in_dim3A_753 = arith.constant 0.000000e+00 : f32
      %broadcast_in_dim3A_754 = vector.broadcast %broadcast_in_dim3A_753 : f32 to vector<16xf32>
      %add3A_755 = arith.constant 192 : i32
      %add3A_756 = arith.addi %mul3A_682, %add3A_755 : i32
      %swap3A_757 = arith.index_cast %add3A_756 : i32 to index
      %swap3A_758 = tpu.vector_load %arg7[%swap3A_757] {strides = array<i32>} : memref<50176xf32, #tpu.memory_space<vmem>>, vector<16xf32>,
      tpu.vector_store %arg7[%swap3A_757], %broadcast_in_dim3A_754 {strides = array<i32>} : memref<50176xf32, #tpu.memory_space<vmem>>, vector<16xf32>,
      %broadcast_in_dim3A_759 = arith.constant 0.000000e+00 : f32
      %broadcast_in_dim3A_760 = vector.broadcast %broadcast_in_dim3A_759 : f32 to vector<16xf32>
      %add3A_761 = arith.constant 208 : i32
      %add3A_762 = arith.addi %mul3A_682, %add3A_761 : i32
      %swap3A_763 = arith.index_cast %add3A_762 : i32 to index
      %swap3A_764 = tpu.vector_load %arg7[%swap3A_763] {strides = array<i32>} : memref<50176xf32, #tpu.memory_space<vmem>>, vector<16xf32>,
      tpu.vector_store %arg7[%swap3A_763], %broadcast_in_dim3A_760 {strides = array<i32>} : memref<50176xf32, #tpu.memory_space<vmem>>, vector<16xf32>,
      %broadcast_in_dim3A_765 = arith.constant 0.000000e+00 : f32
      %broadcast_in_dim3A_766 = vector.broadcast %broadcast_in_dim3A_765 : f32 to vector<16xf32>
      %add3A_767 = arith.constant 224 : i32
      %add3A_768 = arith.addi %mul3A_682, %add3A_767 : i32
      %swap3A_769 = arith.index_cast %add3A_768 : i32 to index
      %swap3A_770 = tpu.vector_load %arg7[%swap3A_769] {strides = array<i32>} : memref<50176xf32, #tpu.memory_space<vmem>>, vector<16xf32>,
      tpu.vector_store %arg7[%swap3A_769], %broadcast_in_dim3A_766 {strides = array<i32>} : memref<50176xf32, #tpu.memory_space<vmem>>, vector<16xf32>,
      %broadcast_in_dim3A_771 = arith.constant 0.000000e+00 : f32
      %broadcast_in_dim3A_772 = vector.broadcast %broadcast_in_dim3A_771 : f32 to vector<16xf32>
      %add3A_773 = arith.constant 240 : i32
      %add3A_774 = arith.addi %mul3A_682, %add3A_773 : i32
      %swap3A_775 = arith.index_cast %add3A_774 : i32 to index
      %swap3A_776 = tpu.vector_load %arg7[%swap3A_775] {strides = array<i32>} : memref<50176xf32, #tpu.memory_space<vmem>>, vector<16xf32>,
      tpu.vector_store %arg7[%swap3A_775], %broadcast_in_dim3A_772 {strides = array<i32>} : memref<50176xf32, #tpu.memory_space<vmem>>, vector<16xf32>,
    }
    %scan3A_536 = arith.constant 196 : i32
    %dma_wait3A_537 = arith.constant 0 : i32
    %dma_wait3A_538 = arith.constant 0 : i32
    %dma_wait3A_539 = tpu.memref_slice %arg2[%select_n3A_475, %sub3A_478, %dma_wait3A_537, %dma_wait3A_538] : memref<2x96x224x112xf32, #tpu.memory_space<hbm>> -> memref<1x1x224x112xf32, #tpu.memory_space<hbm>>
    %dma_wait3A_540 = tpu.memref_squeeze %dma_wait3A_539 : memref<1x1x224x112xf32, #tpu.memory_space<hbm>> -> memref<224x112xf32, #tpu.memory_space<hbm>>
    %dma_wait3A_541 = arith.constant 0 : i32
    %dma_wait3A_542 = arith.constant 0 : i32
    %dma_wait3A_543 = tpu.memref_slice %arg2[%select_n3A_475, %sub3A_478, %dma_wait3A_541, %dma_wait3A_542] : memref<2x96x224x112xf32, #tpu.memory_space<hbm>> -> memref<1x1x224x112xf32, #tpu.memory_space<hbm>>
    %dma_wait3A_544 = tpu.memref_squeeze %dma_wait3A_543 : memref<1x1x224x112xf32, #tpu.memory_space<hbm>> -> memref<224x112xf32, #tpu.memory_space<hbm>>
    tpu.wait_dma2 semaphore(%arg8 : memref<!tpu.dma_semaphore, #tpu.memory_space<semaphore_mem>>) src(%dma_wait3A_544 : memref<224x112xf32, #tpu.memory_space<hbm>>) dst(%arg5 : memref<224x112xf32, #tpu.memory_space<vmem>>)
    %dma_wait3A_545 = arith.constant 0 : i32
    %dma_wait3A_546 = arith.constant 0 : i32
    %dma_wait3A_547 = tpu.memref_slice %arg3[%select_n3A_475, %sub3A_478, %dma_wait3A_545, %dma_wait3A_546] : memref<2x96x224x112xi32, #tpu.memory_space<hbm>> -> memref<1x1x224x112xi32, #tpu.memory_space<hbm>>
    %dma_wait3A_548 = tpu.memref_squeeze %dma_wait3A_547 : memref<1x1x224x112xi32, #tpu.memory_space<hbm>> -> memref<224x112xi32, #tpu.memory_space<hbm>>
    %dma_wait3A_549 = arith.constant 0 : i32
    %dma_wait3A_550 = arith.constant 0 : i32
    %dma_wait3A_551 = tpu.memref_slice %arg3[%select_n3A_475, %sub3A_478, %dma_wait3A_549, %dma_wait3A_550] : memref<2x96x224x112xi32, #tpu.memory_space<hbm>> -> memref<1x1x224x112xi32, #tpu.memory_space<hbm>>
    %dma_wait3A_552 = tpu.memref_squeeze %dma_wait3A_551 : memref<1x1x224x112xi32, #tpu.memory_space<hbm>> -> memref<224x112xi32, #tpu.memory_space<hbm>>
    tpu.wait_dma2 semaphore(%arg8 : memref<!tpu.dma_semaphore, #tpu.memory_space<semaphore_mem>>) src(%dma_wait3A_552 : memref<224x112xi32, #tpu.memory_space<hbm>>) dst(%arg6 : memref<224x112xi32, #tpu.memory_space<vmem>>)
    %scan3A_553 = arith.constant 0 : i32
    %scan3A_554 = arith.constant 0 : i32
    %scan3A_555 = arith.constant 224 : i32
    %scan3A_556 = arith.addi %scan3A_554, %scan3A_555 : i32
    %scan3A_557 = arith.constant 1 : i32
    scf.for %scan3A_680 = %scan3A_554 to %scan3A_556 step %scan3A_557  : i32 {
      %get3A = arith.index_cast %scan3A_680 : i32 to index
      %get3A_681 = arith.constant 0 : index
      %get3A_682 = tpu.vector_load %arg6[%get3A, %get3A_681] {strides = array<i32>} : memref<224x112xi32, #tpu.memory_space<vmem>>, vector<16xi32>,
      %get3A_683 = arith.index_cast %scan3A_680 : i32 to index
      %get3A_684 = arith.constant 16 : index
      %get3A_685 = tpu.vector_load %arg6[%get3A_683, %get3A_684] {strides = array<i32>} : memref<224x112xi32, #tpu.memory_space<vmem>>, vector<16xi32>,
      %get3A_686 = arith.index_cast %scan3A_680 : i32 to index
      %get3A_687 = arith.constant 32 : index
      %get3A_688 = tpu.vector_load %arg6[%get3A_686, %get3A_687] {strides = array<i32>} : memref<224x112xi32, #tpu.memory_space<vmem>>, vector<16xi32>,
      %get3A_689 = arith.index_cast %scan3A_680 : i32 to index
      %get3A_690 = arith.constant 48 : index
      %get3A_691 = tpu.vector_load %arg6[%get3A_689, %get3A_690] {strides = array<i32>} : memref<224x112xi32, #tpu.memory_space<vmem>>, vector<16xi32>,
      %get3A_692 = arith.index_cast %scan3A_680 : i32 to index
      %get3A_693 = arith.constant 64 : index
      %get3A_694 = tpu.vector_load %arg6[%get3A_692, %get3A_693] {strides = array<i32>} : memref<224x112xi32, #tpu.memory_space<vmem>>, vector<16xi32>,
      %get3A_695 = arith.index_cast %scan3A_680 : i32 to index
      %get3A_696 = arith.constant 80 : index
      %get3A_697 = tpu.vector_load %arg6[%get3A_695, %get3A_696] {strides = array<i32>} : memref<224x112xi32, #tpu.memory_space<vmem>>, vector<16xi32>,
      %get3A_698 = arith.index_cast %scan3A_680 : i32 to index
      %get3A_699 = arith.constant 96 : index
      %get3A_700 = tpu.vector_load %arg6[%get3A_698, %get3A_699] {strides = array<i32>} : memref<224x112xi32, #tpu.memory_space<vmem>>, vector<16xi32>,
      %get3A_701 = arith.index_cast %scan3A_680 : i32 to index
      %get3A_702 = arith.constant 0 : index
      %get3A_703 = tpu.vector_load %arg5[%get3A_701, %get3A_702] {strides = array<i32>} : memref<224x112xf32, #tpu.memory_space<vmem>>, vector<16xf32>,
      %get3A_704 = arith.index_cast %scan3A_680 : i32 to index
      %get3A_705 = arith.constant 16 : index
      %get3A_706 = tpu.vector_load %arg5[%get3A_704, %get3A_705] {strides = array<i32>} : memref<224x112xf32, #tpu.memory_space<vmem>>, vector<16xf32>,
      %get3A_707 = arith.index_cast %scan3A_680 : i32 to index
      %get3A_708 = arith.constant 32 : index
      %get3A_709 = tpu.vector_load %arg5[%get3A_707, %get3A_708] {strides = array<i32>} : memref<224x112xf32, #tpu.memory_space<vmem>>, vector<16xf32>,
      %get3A_710 = arith.index_cast %scan3A_680 : i32 to index
      %get3A_711 = arith.constant 48 : index
      %get3A_712 = tpu.vector_load %arg5[%get3A_710, %get3A_711] {strides = array<i32>} : memref<224x112xf32, #tpu.memory_space<vmem>>, vector<16xf32>,
      %get3A_713 = arith.index_cast %scan3A_680 : i32 to index
      %get3A_714 = arith.constant 64 : index
      %get3A_715 = tpu.vector_load %arg5[%get3A_713, %get3A_714] {strides = array<i32>} : memref<224x112xf32, #tpu.memory_space<vmem>>, vector<16xf32>,
      %get3A_716 = arith.index_cast %scan3A_680 : i32 to index
      %get3A_717 = arith.constant 80 : index
      %get3A_718 = tpu.vector_load %arg5[%get3A_716, %get3A_717] {strides = array<i32>} : memref<224x112xf32, #tpu.memory_space<vmem>>, vector<16xf32>,
      %get3A_719 = arith.index_cast %scan3A_680 : i32 to index
      %get3A_720 = arith.constant 96 : index
      %get3A_721 = tpu.vector_load %arg5[%get3A_719, %get3A_720] {strides = array<i32>} : memref<224x112xf32, #tpu.memory_space<vmem>>, vector<16xf32>,
      tpu.vector_store_idx %arg7[%get3A_682], %get3A_703 : memref<50176xf32, #tpu.memory_space<vmem>>[vector<16xi32>], vector<16xf32>,
      tpu.vector_store_idx %arg7[%get3A_685], %get3A_706 : memref<50176xf32, #tpu.memory_space<vmem>>[vector<16xi32>], vector<16xf32>,
      tpu.vector_store_idx %arg7[%get3A_688], %get3A_709 : memref<50176xf32, #tpu.memory_space<vmem>>[vector<16xi32>], vector<16xf32>,
      tpu.vector_store_idx %arg7[%get3A_691], %get3A_712 : memref<50176xf32, #tpu.memory_space<vmem>>[vector<16xi32>], vector<16xf32>,
      tpu.vector_store_idx %arg7[%get3A_694], %get3A_715 : memref<50176xf32, #tpu.memory_space<vmem>>[vector<16xi32>], vector<16xf32>,
      tpu.vector_store_idx %arg7[%get3A_697], %get3A_718 : memref<50176xf32, #tpu.memory_space<vmem>>[vector<16xi32>], vector<16xf32>,
      tpu.vector_store_idx %arg7[%get3A_700], %get3A_721 : memref<50176xf32, #tpu.memory_space<vmem>>[vector<16xi32>], vector<16xf32>,
    }
    %scan3A_558 = arith.constant 224 : i32
    %mul3A_559 = arith.constant 50176 : i32
    %mul3A_560 = arith.muli %add3A_528, %mul3A_559 : i32
    %dma_start3A_561 = tpu.memref_slice %arg4[%mul3A_560] : memref<19267584xf32, #tpu.memory_space<hbm>> -> memref<50176xf32, #tpu.memory_space<hbm>>
    %dma_start3A_562 = tpu.memref_slice %arg4[%mul3A_560] : memref<19267584xf32, #tpu.memory_space<hbm>> -> memref<50176xf32, #tpu.memory_space<hbm>>
    tpu.enqueue_dma source(%arg7 : memref<50176xf32, #tpu.memory_space<vmem>>) target(%dma_start3A_562 : memref<50176xf32, #tpu.memory_space<hbm>>) target_semaphore(%arg9 : memref<!tpu.dma_semaphore, #tpu.memory_space<semaphore_mem>>)
    %mul3A_563 = arith.constant 6 : i32
    %mul3A_564 = arith.muli %add3A, %mul3A_563 : i32
    %add3A_565 = arith.constant 5 : i32
    %add3A_566 = arith.addi %mul3A_564, %add3A_565 : i32
    %jit3A_567 = arith.constant 96 : i32
    %div3A_568 = arith.divsi %add3A_566, %jit3A_567 : i32
    %sign3A_569 = arith.constant 0 : i32
    %sign3A_570 = arith.cmpi sgt, %add3A_566, %sign3A_569 : i32
    %sign3A_571 = arith.extui %sign3A_570 : i1 to i32
    %sign3A_572 = arith.constant 0 : i32
    %sign3A_573 = arith.cmpi slt, %add3A_566, %sign3A_572 : i32
    %sign3A_574 = arith.extui %sign3A_573 : i1 to i32
    %sign3A_575 = arith.subi %sign3A_571, %sign3A_574 : i32
    %sign3A_576 = arith.constant 0 : i32
    %sign3A_577 = arith.cmpi sgt, %jit3A_567, %sign3A_576 : i32
    %sign3A_578 = arith.extui %sign3A_577 : i1 to i32
    %sign3A_579 = arith.constant 0 : i32
    %sign3A_580 = arith.cmpi slt, %jit3A_567, %sign3A_579 : i32
    %sign3A_581 = arith.extui %sign3A_580 : i1 to i32
    %sign3A_582 = arith.subi %sign3A_578, %sign3A_581 : i32
    %ne3A_583 = arith.cmpi ne, %sign3A_575, %sign3A_582 : i32
    %rem3A_584 = arith.remsi %add3A_566, %jit3A_567 : i32
    %ne3A_585 = arith.constant 0 : i32
    %ne3A_586 = arith.cmpi ne, %rem3A_584, %ne3A_585 : i32
    %and3A_587 = arith.andi %ne3A_583, %ne3A_586 : i1
    %sub3A_588 = arith.constant 1 : i32
    %sub3A_589 = arith.subi %div3A_568, %sub3A_588 : i32
    %select_n3A_590 = arith.select %and3A_587, %sub3A_589, %div3A_568 : i32
    %mul3A_591 = arith.constant 96 : i32
    %mul3A_592 = arith.muli %select_n3A_590, %mul3A_591 : i32
    %sub3A_593 = arith.subi %add3A_566, %mul3A_592 : i32
    %dma_start3A_594 = arith.constant 0 : i32
    %dma_start3A_595 = arith.constant 0 : i32
    %dma_start3A_596 = tpu.memref_slice %arg2[%select_n3A_590, %sub3A_593, %dma_start3A_594, %dma_start3A_595] : memref<2x96x224x112xf32, #tpu.memory_space<hbm>> -> memref<1x1x224x112xf32, #tpu.memory_space<hbm>>
    %dma_start3A_597 = tpu.memref_squeeze %dma_start3A_596 : memref<1x1x224x112xf32, #tpu.memory_space<hbm>> -> memref<224x112xf32, #tpu.memory_space<hbm>>
    %dma_start3A_598 = arith.constant 0 : i32
    %dma_start3A_599 = arith.constant 0 : i32
    %dma_start3A_600 = tpu.memref_slice %arg2[%select_n3A_590, %sub3A_593, %dma_start3A_598, %dma_start3A_599] : memref<2x96x224x112xf32, #tpu.memory_space<hbm>> -> memref<1x1x224x112xf32, #tpu.memory_space<hbm>>
    %dma_start3A_601 = tpu.memref_squeeze %dma_start3A_600 : memref<1x1x224x112xf32, #tpu.memory_space<hbm>> -> memref<224x112xf32, #tpu.memory_space<hbm>>
    tpu.enqueue_dma source(%dma_start3A_601 : memref<224x112xf32, #tpu.memory_space<hbm>>) target(%arg5 : memref<224x112xf32, #tpu.memory_space<vmem>>) target_semaphore(%arg8 : memref<!tpu.dma_semaphore, #tpu.memory_space<semaphore_mem>>)
    %dma_start3A_602 = arith.constant 0 : i32
    %dma_start3A_603 = arith.constant 0 : i32
    %dma_start3A_604 = tpu.memref_slice %arg3[%select_n3A_590, %sub3A_593, %dma_start3A_602, %dma_start3A_603] : memref<2x96x224x112xi32, #tpu.memory_space<hbm>> -> memref<1x1x224x112xi32, #tpu.memory_space<hbm>>
    %dma_start3A_605 = tpu.memref_squeeze %dma_start3A_604 : memref<1x1x224x112xi32, #tpu.memory_space<hbm>> -> memref<224x112xi32, #tpu.memory_space<hbm>>
    %dma_start3A_606 = arith.constant 0 : i32
    %dma_start3A_607 = arith.constant 0 : i32
    %dma_start3A_608 = tpu.memref_slice %arg3[%select_n3A_590, %sub3A_593, %dma_start3A_606, %dma_start3A_607] : memref<2x96x224x112xi32, #tpu.memory_space<hbm>> -> memref<1x1x224x112xi32, #tpu.memory_space<hbm>>
    %dma_start3A_609 = tpu.memref_squeeze %dma_start3A_608 : memref<1x1x224x112xi32, #tpu.memory_space<hbm>> -> memref<224x112xi32, #tpu.memory_space<hbm>>
    tpu.enqueue_dma source(%dma_start3A_609 : memref<224x112xi32, #tpu.memory_space<hbm>>) target(%arg6 : memref<224x112xi32, #tpu.memory_space<vmem>>) target_semaphore(%arg8 : memref<!tpu.dma_semaphore, #tpu.memory_space<semaphore_mem>>)
    %mul3A_610 = arith.constant 6 : i32
    %mul3A_611 = arith.muli %add3A, %mul3A_610 : i32
    %add3A_612 = arith.constant 5 : i32
    %add3A_613 = arith.addi %mul3A_611, %add3A_612 : i32
    %jit3A_614 = arith.constant 96 : i32
    %div3A_615 = arith.divsi %add3A_613, %jit3A_614 : i32
    %sign3A_616 = arith.constant 0 : i32
    %sign3A_617 = arith.cmpi sgt, %add3A_613, %sign3A_616 : i32
    %sign3A_618 = arith.extui %sign3A_617 : i1 to i32
    %sign3A_619 = arith.constant 0 : i32
    %sign3A_620 = arith.cmpi slt, %add3A_613, %sign3A_619 : i32
    %sign3A_621 = arith.extui %sign3A_620 : i1 to i32
    %sign3A_622 = arith.subi %sign3A_618, %sign3A_621 : i32
    %sign3A_623 = arith.constant 0 : i32
    %sign3A_624 = arith.cmpi sgt, %jit3A_614, %sign3A_623 : i32
    %sign3A_625 = arith.extui %sign3A_624 : i1 to i32
    %sign3A_626 = arith.constant 0 : i32
    %sign3A_627 = arith.cmpi slt, %jit3A_614, %sign3A_626 : i32
    %sign3A_628 = arith.extui %sign3A_627 : i1 to i32
    %sign3A_629 = arith.subi %sign3A_625, %sign3A_628 : i32
    %ne3A_630 = arith.cmpi ne, %sign3A_622, %sign3A_629 : i32
    %rem3A_631 = arith.remsi %add3A_613, %jit3A_614 : i32
    %ne3A_632 = arith.constant 0 : i32
    %ne3A_633 = arith.cmpi ne, %rem3A_631, %ne3A_632 : i32
    %and3A_634 = arith.andi %ne3A_630, %ne3A_633 : i1
    %sub3A_635 = arith.constant 1 : i32
    %sub3A_636 = arith.subi %div3A_615, %sub3A_635 : i32
    %select_n3A_637 = arith.select %and3A_634, %sub3A_636, %div3A_615 : i32
    %mul3A_638 = arith.constant 96 : i32
    %mul3A_639 = arith.muli %select_n3A_637, %mul3A_638 : i32
    %sub3A_640 = arith.subi %add3A_613, %mul3A_639 : i32
    %mul3A_641 = arith.constant 192 : i32
    %mul3A_642 = arith.muli %select_n3A_637, %mul3A_641 : i32
    %add3A_643 = arith.addi %mul3A_642, %sub3A_640 : i32
    %dma_wait3A_644 = tpu.memref_slice %arg4[%mul3A_560] : memref<19267584xf32, #tpu.memory_space<hbm>> -> memref<50176xf32, #tpu.memory_space<hbm>>
    %dma_wait3A_645 = tpu.memref_slice %arg4[%mul3A_560] : memref<19267584xf32, #tpu.memory_space<hbm>> -> memref<50176xf32, #tpu.memory_space<hbm>>
    tpu.wait_dma2 semaphore(%arg9 : memref<!tpu.dma_semaphore, #tpu.memory_space<semaphore_mem>>) src(%arg7 : memref<50176xf32, #tpu.memory_space<vmem>>) dst(%dma_wait3A_645 : memref<50176xf32, #tpu.memory_space<hbm>>)
    %scan3A_646 = arith.constant 0 : i32
    %scan3A_647 = arith.constant 0 : i32
    %scan3A_648 = arith.constant 196 : i32
    %scan3A_649 = arith.addi %scan3A_647, %scan3A_648 : i32
    %scan3A_650 = arith.constant 1 : i32
    scf.for %scan3A_680 = %scan3A_647 to %scan3A_649 step %scan3A_650  : i32 {
      %mul3A_681 = arith.constant 256 : i32
      %mul3A_682 = arith.muli %scan3A_680, %mul3A_681 : i32
      %broadcast_in_dim3A = arith.constant 0.000000e+00 : f32
      %broadcast_in_dim3A_683 = vector.broadcast %broadcast_in_dim3A : f32 to vector<16xf32>
      %add3A_684 = arith.constant 0 : i32
      %add3A_685 = arith.addi %mul3A_682, %add3A_684 : i32
      %swap3A = arith.index_cast %add3A_685 : i32 to index
      %swap3A_686 = tpu.vector_load %arg7[%swap3A] {strides = array<i32>} : memref<50176xf32, #tpu.memory_space<vmem>>, vector<16xf32>,
      tpu.vector_store %arg7[%swap3A], %broadcast_in_dim3A_683 {strides = array<i32>} : memref<50176xf32, #tpu.memory_space<vmem>>, vector<16xf32>,
      %broadcast_in_dim3A_687 = arith.constant 0.000000e+00 : f32
      %broadcast_in_dim3A_688 = vector.broadcast %broadcast_in_dim3A_687 : f32 to vector<16xf32>
      %add3A_689 = arith.constant 16 : i32
      %add3A_690 = arith.addi %mul3A_682, %add3A_689 : i32
      %swap3A_691 = arith.index_cast %add3A_690 : i32 to index
      %swap3A_692 = tpu.vector_load %arg7[%swap3A_691] {strides = array<i32>} : memref<50176xf32, #tpu.memory_space<vmem>>, vector<16xf32>,
      tpu.vector_store %arg7[%swap3A_691], %broadcast_in_dim3A_688 {strides = array<i32>} : memref<50176xf32, #tpu.memory_space<vmem>>, vector<16xf32>,
      %broadcast_in_dim3A_693 = arith.constant 0.000000e+00 : f32
      %broadcast_in_dim3A_694 = vector.broadcast %broadcast_in_dim3A_693 : f32 to vector<16xf32>
      %add3A_695 = arith.constant 32 : i32
      %add3A_696 = arith.addi %mul3A_682, %add3A_695 : i32
      %swap3A_697 = arith.index_cast %add3A_696 : i32 to index
      %swap3A_698 = tpu.vector_load %arg7[%swap3A_697] {strides = array<i32>} : memref<50176xf32, #tpu.memory_space<vmem>>, vector<16xf32>,
      tpu.vector_store %arg7[%swap3A_697], %broadcast_in_dim3A_694 {strides = array<i32>} : memref<50176xf32, #tpu.memory_space<vmem>>, vector<16xf32>,
      %broadcast_in_dim3A_699 = arith.constant 0.000000e+00 : f32
      %broadcast_in_dim3A_700 = vector.broadcast %broadcast_in_dim3A_699 : f32 to vector<16xf32>
      %add3A_701 = arith.constant 48 : i32
      %add3A_702 = arith.addi %mul3A_682, %add3A_701 : i32
      %swap3A_703 = arith.index_cast %add3A_702 : i32 to index
      %swap3A_704 = tpu.vector_load %arg7[%swap3A_703] {strides = array<i32>} : memref<50176xf32, #tpu.memory_space<vmem>>, vector<16xf32>,
      tpu.vector_store %arg7[%swap3A_703], %broadcast_in_dim3A_700 {strides = array<i32>} : memref<50176xf32, #tpu.memory_space<vmem>>, vector<16xf32>,
      %broadcast_in_dim3A_705 = arith.constant 0.000000e+00 : f32
      %broadcast_in_dim3A_706 = vector.broadcast %broadcast_in_dim3A_705 : f32 to vector<16xf32>
      %add3A_707 = arith.constant 64 : i32
      %add3A_708 = arith.addi %mul3A_682, %add3A_707 : i32
      %swap3A_709 = arith.index_cast %add3A_708 : i32 to index
      %swap3A_710 = tpu.vector_load %arg7[%swap3A_709] {strides = array<i32>} : memref<50176xf32, #tpu.memory_space<vmem>>, vector<16xf32>,
      tpu.vector_store %arg7[%swap3A_709], %broadcast_in_dim3A_706 {strides = array<i32>} : memref<50176xf32, #tpu.memory_space<vmem>>, vector<16xf32>,
      %broadcast_in_dim3A_711 = arith.constant 0.000000e+00 : f32
      %broadcast_in_dim3A_712 = vector.broadcast %broadcast_in_dim3A_711 : f32 to vector<16xf32>
      %add3A_713 = arith.constant 80 : i32
      %add3A_714 = arith.addi %mul3A_682, %add3A_713 : i32
      %swap3A_715 = arith.index_cast %add3A_714 : i32 to index
      %swap3A_716 = tpu.vector_load %arg7[%swap3A_715] {strides = array<i32>} : memref<50176xf32, #tpu.memory_space<vmem>>, vector<16xf32>,
      tpu.vector_store %arg7[%swap3A_715], %broadcast_in_dim3A_712 {strides = array<i32>} : memref<50176xf32, #tpu.memory_space<vmem>>, vector<16xf32>,
      %broadcast_in_dim3A_717 = arith.constant 0.000000e+00 : f32
      %broadcast_in_dim3A_718 = vector.broadcast %broadcast_in_dim3A_717 : f32 to vector<16xf32>
      %add3A_719 = arith.constant 96 : i32
      %add3A_720 = arith.addi %mul3A_682, %add3A_719 : i32
      %swap3A_721 = arith.index_cast %add3A_720 : i32 to index
      %swap3A_722 = tpu.vector_load %arg7[%swap3A_721] {strides = array<i32>} : memref<50176xf32, #tpu.memory_space<vmem>>, vector<16xf32>,
      tpu.vector_store %arg7[%swap3A_721], %broadcast_in_dim3A_718 {strides = array<i32>} : memref<50176xf32, #tpu.memory_space<vmem>>, vector<16xf32>,
      %broadcast_in_dim3A_723 = arith.constant 0.000000e+00 : f32
      %broadcast_in_dim3A_724 = vector.broadcast %broadcast_in_dim3A_723 : f32 to vector<16xf32>
      %add3A_725 = arith.constant 112 : i32
      %add3A_726 = arith.addi %mul3A_682, %add3A_725 : i32
      %swap3A_727 = arith.index_cast %add3A_726 : i32 to index
      %swap3A_728 = tpu.vector_load %arg7[%swap3A_727] {strides = array<i32>} : memref<50176xf32, #tpu.memory_space<vmem>>, vector<16xf32>,
      tpu.vector_store %arg7[%swap3A_727], %broadcast_in_dim3A_724 {strides = array<i32>} : memref<50176xf32, #tpu.memory_space<vmem>>, vector<16xf32>,
      %broadcast_in_dim3A_729 = arith.constant 0.000000e+00 : f32
      %broadcast_in_dim3A_730 = vector.broadcast %broadcast_in_dim3A_729 : f32 to vector<16xf32>
      %add3A_731 = arith.constant 128 : i32
      %add3A_732 = arith.addi %mul3A_682, %add3A_731 : i32
      %swap3A_733 = arith.index_cast %add3A_732 : i32 to index
      %swap3A_734 = tpu.vector_load %arg7[%swap3A_733] {strides = array<i32>} : memref<50176xf32, #tpu.memory_space<vmem>>, vector<16xf32>,
      tpu.vector_store %arg7[%swap3A_733], %broadcast_in_dim3A_730 {strides = array<i32>} : memref<50176xf32, #tpu.memory_space<vmem>>, vector<16xf32>,
      %broadcast_in_dim3A_735 = arith.constant 0.000000e+00 : f32
      %broadcast_in_dim3A_736 = vector.broadcast %broadcast_in_dim3A_735 : f32 to vector<16xf32>
      %add3A_737 = arith.constant 144 : i32
      %add3A_738 = arith.addi %mul3A_682, %add3A_737 : i32
      %swap3A_739 = arith.index_cast %add3A_738 : i32 to index
      %swap3A_740 = tpu.vector_load %arg7[%swap3A_739] {strides = array<i32>} : memref<50176xf32, #tpu.memory_space<vmem>>, vector<16xf32>,
      tpu.vector_store %arg7[%swap3A_739], %broadcast_in_dim3A_736 {strides = array<i32>} : memref<50176xf32, #tpu.memory_space<vmem>>, vector<16xf32>,
      %broadcast_in_dim3A_741 = arith.constant 0.000000e+00 : f32
      %broadcast_in_dim3A_742 = vector.broadcast %broadcast_in_dim3A_741 : f32 to vector<16xf32>
      %add3A_743 = arith.constant 160 : i32
      %add3A_744 = arith.addi %mul3A_682, %add3A_743 : i32
      %swap3A_745 = arith.index_cast %add3A_744 : i32 to index
      %swap3A_746 = tpu.vector_load %arg7[%swap3A_745] {strides = array<i32>} : memref<50176xf32, #tpu.memory_space<vmem>>, vector<16xf32>,
      tpu.vector_store %arg7[%swap3A_745], %broadcast_in_dim3A_742 {strides = array<i32>} : memref<50176xf32, #tpu.memory_space<vmem>>, vector<16xf32>,
      %broadcast_in_dim3A_747 = arith.constant 0.000000e+00 : f32
      %broadcast_in_dim3A_748 = vector.broadcast %broadcast_in_dim3A_747 : f32 to vector<16xf32>
      %add3A_749 = arith.constant 176 : i32
      %add3A_750 = arith.addi %mul3A_682, %add3A_749 : i32
      %swap3A_751 = arith.index_cast %add3A_750 : i32 to index
      %swap3A_752 = tpu.vector_load %arg7[%swap3A_751] {strides = array<i32>} : memref<50176xf32, #tpu.memory_space<vmem>>, vector<16xf32>,
      tpu.vector_store %arg7[%swap3A_751], %broadcast_in_dim3A_748 {strides = array<i32>} : memref<50176xf32, #tpu.memory_space<vmem>>, vector<16xf32>,
      %broadcast_in_dim3A_753 = arith.constant 0.000000e+00 : f32
      %broadcast_in_dim3A_754 = vector.broadcast %broadcast_in_dim3A_753 : f32 to vector<16xf32>
      %add3A_755 = arith.constant 192 : i32
      %add3A_756 = arith.addi %mul3A_682, %add3A_755 : i32
      %swap3A_757 = arith.index_cast %add3A_756 : i32 to index
      %swap3A_758 = tpu.vector_load %arg7[%swap3A_757] {strides = array<i32>} : memref<50176xf32, #tpu.memory_space<vmem>>, vector<16xf32>,
      tpu.vector_store %arg7[%swap3A_757], %broadcast_in_dim3A_754 {strides = array<i32>} : memref<50176xf32, #tpu.memory_space<vmem>>, vector<16xf32>,
      %broadcast_in_dim3A_759 = arith.constant 0.000000e+00 : f32
      %broadcast_in_dim3A_760 = vector.broadcast %broadcast_in_dim3A_759 : f32 to vector<16xf32>
      %add3A_761 = arith.constant 208 : i32
      %add3A_762 = arith.addi %mul3A_682, %add3A_761 : i32
      %swap3A_763 = arith.index_cast %add3A_762 : i32 to index
      %swap3A_764 = tpu.vector_load %arg7[%swap3A_763] {strides = array<i32>} : memref<50176xf32, #tpu.memory_space<vmem>>, vector<16xf32>,
      tpu.vector_store %arg7[%swap3A_763], %broadcast_in_dim3A_760 {strides = array<i32>} : memref<50176xf32, #tpu.memory_space<vmem>>, vector<16xf32>,
      %broadcast_in_dim3A_765 = arith.constant 0.000000e+00 : f32
      %broadcast_in_dim3A_766 = vector.broadcast %broadcast_in_dim3A_765 : f32 to vector<16xf32>
      %add3A_767 = arith.constant 224 : i32
      %add3A_768 = arith.addi %mul3A_682, %add3A_767 : i32
      %swap3A_769 = arith.index_cast %add3A_768 : i32 to index
      %swap3A_770 = tpu.vector_load %arg7[%swap3A_769] {strides = array<i32>} : memref<50176xf32, #tpu.memory_space<vmem>>, vector<16xf32>,
      tpu.vector_store %arg7[%swap3A_769], %broadcast_in_dim3A_766 {strides = array<i32>} : memref<50176xf32, #tpu.memory_space<vmem>>, vector<16xf32>,
      %broadcast_in_dim3A_771 = arith.constant 0.000000e+00 : f32
      %broadcast_in_dim3A_772 = vector.broadcast %broadcast_in_dim3A_771 : f32 to vector<16xf32>
      %add3A_773 = arith.constant 240 : i32
      %add3A_774 = arith.addi %mul3A_682, %add3A_773 : i32
      %swap3A_775 = arith.index_cast %add3A_774 : i32 to index
      %swap3A_776 = tpu.vector_load %arg7[%swap3A_775] {strides = array<i32>} : memref<50176xf32, #tpu.memory_space<vmem>>, vector<16xf32>,
      tpu.vector_store %arg7[%swap3A_775], %broadcast_in_dim3A_772 {strides = array<i32>} : memref<50176xf32, #tpu.memory_space<vmem>>, vector<16xf32>,
    }
    %scan3A_651 = arith.constant 196 : i32
    %dma_wait3A_652 = arith.constant 0 : i32
    %dma_wait3A_653 = arith.constant 0 : i32
    %dma_wait3A_654 = tpu.memref_slice %arg2[%select_n3A_590, %sub3A_593, %dma_wait3A_652, %dma_wait3A_653] : memref<2x96x224x112xf32, #tpu.memory_space<hbm>> -> memref<1x1x224x112xf32, #tpu.memory_space<hbm>>
    %dma_wait3A_655 = tpu.memref_squeeze %dma_wait3A_654 : memref<1x1x224x112xf32, #tpu.memory_space<hbm>> -> memref<224x112xf32, #tpu.memory_space<hbm>>
    %dma_wait3A_656 = arith.constant 0 : i32
    %dma_wait3A_657 = arith.constant 0 : i32
    %dma_wait3A_658 = tpu.memref_slice %arg2[%select_n3A_590, %sub3A_593, %dma_wait3A_656, %dma_wait3A_657] : memref<2x96x224x112xf32, #tpu.memory_space<hbm>> -> memref<1x1x224x112xf32, #tpu.memory_space<hbm>>
    %dma_wait3A_659 = tpu.memref_squeeze %dma_wait3A_658 : memref<1x1x224x112xf32, #tpu.memory_space<hbm>> -> memref<224x112xf32, #tpu.memory_space<hbm>>
    tpu.wait_dma2 semaphore(%arg8 : memref<!tpu.dma_semaphore, #tpu.memory_space<semaphore_mem>>) src(%dma_wait3A_659 : memref<224x112xf32, #tpu.memory_space<hbm>>) dst(%arg5 : memref<224x112xf32, #tpu.memory_space<vmem>>)
    %dma_wait3A_660 = arith.constant 0 : i32
    %dma_wait3A_661 = arith.constant 0 : i32
    %dma_wait3A_662 = tpu.memref_slice %arg3[%select_n3A_590, %sub3A_593, %dma_wait3A_660, %dma_wait3A_661] : memref<2x96x224x112xi32, #tpu.memory_space<hbm>> -> memref<1x1x224x112xi32, #tpu.memory_space<hbm>>
    %dma_wait3A_663 = tpu.memref_squeeze %dma_wait3A_662 : memref<1x1x224x112xi32, #tpu.memory_space<hbm>> -> memref<224x112xi32, #tpu.memory_space<hbm>>
    %dma_wait3A_664 = arith.constant 0 : i32
    %dma_wait3A_665 = arith.constant 0 : i32
    %dma_wait3A_666 = tpu.memref_slice %arg3[%select_n3A_590, %sub3A_593, %dma_wait3A_664, %dma_wait3A_665] : memref<2x96x224x112xi32, #tpu.memory_space<hbm>> -> memref<1x1x224x112xi32, #tpu.memory_space<hbm>>
    %dma_wait3A_667 = tpu.memref_squeeze %dma_wait3A_666 : memref<1x1x224x112xi32, #tpu.memory_space<hbm>> -> memref<224x112xi32, #tpu.memory_space<hbm>>
    tpu.wait_dma2 semaphore(%arg8 : memref<!tpu.dma_semaphore, #tpu.memory_space<semaphore_mem>>) src(%dma_wait3A_667 : memref<224x112xi32, #tpu.memory_space<hbm>>) dst(%arg6 : memref<224x112xi32, #tpu.memory_space<vmem>>)
    %scan3A_668 = arith.constant 0 : i32
    %scan3A_669 = arith.constant 0 : i32
    %scan3A_670 = arith.constant 224 : i32
    %scan3A_671 = arith.addi %scan3A_669, %scan3A_670 : i32
    %scan3A_672 = arith.constant 1 : i32
    scf.for %scan3A_680 = %scan3A_669 to %scan3A_671 step %scan3A_672  : i32 {
      %get3A = arith.index_cast %scan3A_680 : i32 to index
      %get3A_681 = arith.constant 0 : index
      %get3A_682 = tpu.vector_load %arg6[%get3A, %get3A_681] {strides = array<i32>} : memref<224x112xi32, #tpu.memory_space<vmem>>, vector<16xi32>,
      %get3A_683 = arith.index_cast %scan3A_680 : i32 to index
      %get3A_684 = arith.constant 16 : index
      %get3A_685 = tpu.vector_load %arg6[%get3A_683, %get3A_684] {strides = array<i32>} : memref<224x112xi32, #tpu.memory_space<vmem>>, vector<16xi32>,
      %get3A_686 = arith.index_cast %scan3A_680 : i32 to index
      %get3A_687 = arith.constant 32 : index
      %get3A_688 = tpu.vector_load %arg6[%get3A_686, %get3A_687] {strides = array<i32>} : memref<224x112xi32, #tpu.memory_space<vmem>>, vector<16xi32>,
      %get3A_689 = arith.index_cast %scan3A_680 : i32 to index
      %get3A_690 = arith.constant 48 : index
      %get3A_691 = tpu.vector_load %arg6[%get3A_689, %get3A_690] {strides = array<i32>} : memref<224x112xi32, #tpu.memory_space<vmem>>, vector<16xi32>,
      %get3A_692 = arith.index_cast %scan3A_680 : i32 to index
      %get3A_693 = arith.constant 64 : index
      %get3A_694 = tpu.vector_load %arg6[%get3A_692, %get3A_693] {strides = array<i32>} : memref<224x112xi32, #tpu.memory_space<vmem>>, vector<16xi32>,
      %get3A_695 = arith.index_cast %scan3A_680 : i32 to index
      %get3A_696 = arith.constant 80 : index
      %get3A_697 = tpu.vector_load %arg6[%get3A_695, %get3A_696] {strides = array<i32>} : memref<224x112xi32, #tpu.memory_space<vmem>>, vector<16xi32>,
      %get3A_698 = arith.index_cast %scan3A_680 : i32 to index
      %get3A_699 = arith.constant 96 : index
      %get3A_700 = tpu.vector_load %arg6[%get3A_698, %get3A_699] {strides = array<i32>} : memref<224x112xi32, #tpu.memory_space<vmem>>, vector<16xi32>,
      %get3A_701 = arith.index_cast %scan3A_680 : i32 to index
      %get3A_702 = arith.constant 0 : index
      %get3A_703 = tpu.vector_load %arg5[%get3A_701, %get3A_702] {strides = array<i32>} : memref<224x112xf32, #tpu.memory_space<vmem>>, vector<16xf32>,
      %get3A_704 = arith.index_cast %scan3A_680 : i32 to index
      %get3A_705 = arith.constant 16 : index
      %get3A_706 = tpu.vector_load %arg5[%get3A_704, %get3A_705] {strides = array<i32>} : memref<224x112xf32, #tpu.memory_space<vmem>>, vector<16xf32>,
      %get3A_707 = arith.index_cast %scan3A_680 : i32 to index
      %get3A_708 = arith.constant 32 : index
      %get3A_709 = tpu.vector_load %arg5[%get3A_707, %get3A_708] {strides = array<i32>} : memref<224x112xf32, #tpu.memory_space<vmem>>, vector<16xf32>,
      %get3A_710 = arith.index_cast %scan3A_680 : i32 to index
      %get3A_711 = arith.constant 48 : index
      %get3A_712 = tpu.vector_load %arg5[%get3A_710, %get3A_711] {strides = array<i32>} : memref<224x112xf32, #tpu.memory_space<vmem>>, vector<16xf32>,
      %get3A_713 = arith.index_cast %scan3A_680 : i32 to index
      %get3A_714 = arith.constant 64 : index
      %get3A_715 = tpu.vector_load %arg5[%get3A_713, %get3A_714] {strides = array<i32>} : memref<224x112xf32, #tpu.memory_space<vmem>>, vector<16xf32>,
      %get3A_716 = arith.index_cast %scan3A_680 : i32 to index
      %get3A_717 = arith.constant 80 : index
      %get3A_718 = tpu.vector_load %arg5[%get3A_716, %get3A_717] {strides = array<i32>} : memref<224x112xf32, #tpu.memory_space<vmem>>, vector<16xf32>,
      %get3A_719 = arith.index_cast %scan3A_680 : i32 to index
      %get3A_720 = arith.constant 96 : index
      %get3A_721 = tpu.vector_load %arg5[%get3A_719, %get3A_720] {strides = array<i32>} : memref<224x112xf32, #tpu.memory_space<vmem>>, vector<16xf32>,
      tpu.vector_store_idx %arg7[%get3A_682], %get3A_703 : memref<50176xf32, #tpu.memory_space<vmem>>[vector<16xi32>], vector<16xf32>,
      tpu.vector_store_idx %arg7[%get3A_685], %get3A_706 : memref<50176xf32, #tpu.memory_space<vmem>>[vector<16xi32>], vector<16xf32>,
      tpu.vector_store_idx %arg7[%get3A_688], %get3A_709 : memref<50176xf32, #tpu.memory_space<vmem>>[vector<16xi32>], vector<16xf32>,
      tpu.vector_store_idx %arg7[%get3A_691], %get3A_712 : memref<50176xf32, #tpu.memory_space<vmem>>[vector<16xi32>], vector<16xf32>,
      tpu.vector_store_idx %arg7[%get3A_694], %get3A_715 : memref<50176xf32, #tpu.memory_space<vmem>>[vector<16xi32>], vector<16xf32>,
      tpu.vector_store_idx %arg7[%get3A_697], %get3A_718 : memref<50176xf32, #tpu.memory_space<vmem>>[vector<16xi32>], vector<16xf32>,
      tpu.vector_store_idx %arg7[%get3A_700], %get3A_721 : memref<50176xf32, #tpu.memory_space<vmem>>[vector<16xi32>], vector<16xf32>,
    }
    %scan3A_673 = arith.constant 224 : i32
    %mul3A_674 = arith.constant 50176 : i32
    %mul3A_675 = arith.muli %add3A_643, %mul3A_674 : i32
    %dma_start3A_676 = tpu.memref_slice %arg4[%mul3A_675] : memref<19267584xf32, #tpu.memory_space<hbm>> -> memref<50176xf32, #tpu.memory_space<hbm>>
    %dma_start3A_677 = tpu.memref_slice %arg4[%mul3A_675] : memref<19267584xf32, #tpu.memory_space<hbm>> -> memref<50176xf32, #tpu.memory_space<hbm>>
    tpu.enqueue_dma source(%arg7 : memref<50176xf32, #tpu.memory_space<vmem>>) target(%dma_start3A_677 : memref<50176xf32, #tpu.memory_space<hbm>>) target_semaphore(%arg9 : memref<!tpu.dma_semaphore, #tpu.memory_space<semaphore_mem>>)
    %dma_wait3A_678 = tpu.memref_slice %arg4[%mul3A_675] : memref<19267584xf32, #tpu.memory_space<hbm>> -> memref<50176xf32, #tpu.memory_space<hbm>>
    %dma_wait3A_679 = tpu.memref_slice %arg4[%mul3A_675] : memref<19267584xf32, #tpu.memory_space<hbm>> -> memref<50176xf32, #tpu.memory_space<hbm>>
    tpu.wait_dma2 semaphore(%arg9 : memref<!tpu.dma_semaphore, #tpu.memory_space<semaphore_mem>>) src(%arg7 : memref<50176xf32, #tpu.memory_space<vmem>>) dst(%dma_wait3A_679 : memref<50176xf32, #tpu.memory_space<hbm>>)
    return
  }
}

module attributes {stable_mosaic.version = 14 : i64} {
  func.func @_tc_pre_body(%arg0: i32, %arg1: i32, %arg2: memref<1x16x224x224xf32, #tpu.memory_space<vmem>>, %arg3: memref<2x192x224x224xf32, #tpu.memory_space<any>>, %arg4: memref<1x16x224x224xf32, #tpu.memory_space<vmem>>) attributes {dimension_semantics = [#tpu.dimension_semantics<arbitrary>, #tpu.dimension_semantics<arbitrary>], iteration_bounds = array<i64: 2, 6>, scalar_prefetch = 0 : i64, scratch_operands = 0 : i64, tpu.core_type = #tpu.core_type<tc>, window_params = [{transform_indices = @transform_0, window_bounds = array<i64: 1, 16, 224, 224>}, {}, {transform_indices = @transform_2, window_bounds = array<i64: 1, 16, 224, 224>}]} {
    %get3A = arith.constant 0 : index
    %get3A_0 = arith.constant 0 : index
    %get3A_1 = arith.constant 0 : index
    %get3A_2 = arith.constant 0 : index
    %get3A_3 = vector.load %arg2[%get3A, %get3A_0, %get3A_1, %get3A_2] : memref<1x16x224x224xf32, #tpu.memory_space<vmem>>, vector<1x16x224x224xf32>
    %swap3A = arith.constant 0 : index
    %swap3A_4 = arith.constant 0 : index
    %swap3A_5 = arith.constant 0 : index
    %swap3A_6 = arith.constant 0 : index
    %swap3A_7 = vector.load %arg4[%swap3A, %swap3A_4, %swap3A_5, %swap3A_6] : memref<1x16x224x224xf32, #tpu.memory_space<vmem>>, vector<1x16x224x224xf32>
    tpu.vector_store %arg4[%swap3A, %swap3A_4, %swap3A_5, %swap3A_6], %get3A_3 {strides = array<i32>} : memref<1x16x224x224xf32, #tpu.memory_space<vmem>>, vector<1x16x224x224xf32>,
    return
  }
  func.func @transform_0(%arg0: i32, %arg1: i32) -> (i32, i32, i32, i32) {
    %c0_i32 = arith.constant 0 : i32
    %c0_i32_0 = arith.constant 0 : i32
    %c0_i32_1 = arith.constant 0 : i32
    return %arg0, %arg1, %c0_i32, %c0_i32_0 : i32, i32, i32, i32
  }
  func.func @transform_2(%arg0: i32, %arg1: i32) -> (i32, i32, i32, i32) {
    %add3A = arith.constant 6 : i32
    %add3A_0 = arith.addi %add3A, %arg1 : i32
    %c0_i32 = arith.constant 0 : i32
    %c0_i32_1 = arith.constant 0 : i32
    %c0_i32_2 = arith.constant 0 : i32
    return %arg0, %add3A_0, %c0_i32, %c0_i32_1 : i32, i32, i32, i32
  }
}

</mosaic_0001>

<sc_bundles>
// kernel: kernel.4.cloned.1.call-start
scs
__scs_entry_jumppad:
0x0: {  	(pc) =	sbr.rel $0x88, $3  }
0x1: {  	(tag) =	ssettag $0x0;
	lr =	simm.s32 $0x1  }
0x2: {  	[smem:$0x3F9E] =	sst lr;
	_ =	strace $0xD0000000  }
0x3: {  	_ = 	snop  }
0x4: {  	_ = 	snop  }
0x5: {  	_ = 	snop  }
0x6: {  	_ = 	snop  }
0x7: {  	_ = 	snop  }
__scs_overlays_trampoline_lowered:
0x8: {  	[smem:$0x3FAD] =	sst s0  }
0x9: {  	[smem:$0x3FAE] =	sst s1  }
0xa: {  	[smem:$0x3FAF] =	sst s2  }
0xb: {  	[smem:$0x3FB0] =	sst s3  }
0xc: {  	[smem:$0x3FB1] =	sst s4  }
0xd: {  	[smem:$0x3FB2] =	sst s5  }
0xe: {  	[smem:$0x3FB3] =	sst s6  }
0xf: {  	[smem:$0x3FB4] =	sst s7  }
0x10: {  	[smem:$0x3FB5] =	sst s8  }
0x11: {  	[smem:$0x3FB6] =	sst s9;
	s0 =	simm.s32 @!p0 $0x0  }
0x12: {  	s1 =	sld [smem:$0x3F9C];
	s0 =	simm.s32 @p0 $0x1  }
0x13: {  	[smem:$0x3FB7] =	sst s0;
	s0 =	simm.s32 @!p1 $0x0  }
0x14: {  	s2 =	sld [smem:$0x3F9B];
	s0 =	simm.s32 @p1 $0x1  }
0x15: {  	[smem:$0x3FB8] =	sst s0;
	s0 =	simm.s32 @!p2 $0x0  }
0x16: {  	s3 =	sld [smem:$0x3FDB];
	s0 =	simm.s32 @p2 $0x1  }
0x17: {  	s4 =	simm.s32 $0x1BF5;
	[smem:$0x3FBA] =	sst s0  }
0x18: {  	s0 =	sld [smem:$0x3F9D];
	_ =	swait.ge [sflag:s4], $0x0  }
0x19: {  	s7 =	sld [smem:$0x3F9E]  }
0x1a: {  	s8 =	sadd.s32 $0xFFFFE003, lr  }
0x1b: {  	s9 =	sadd.s32 $0xFFFFFEF7, lr;
	s5 =	simm.s32 $0xFFFFFFFF;
	p2 =	slt.u32 s8, $0xFFFFF086  }
0x1c: {  	p1 =	slt.u32 s9, $0xF7A;
	s5 =	simm.s32 @!p2 $0x0  }
0x1d: {  	s5 =	simm.s32 @p1 $0x1;
	p0 =	seq.s32 s7, s2  }
0x1e: {  	s7 =	smul.u32 @!p0 $0xF7A, s2;
	p2 =	seq.s32 @!p0 s5, $0x0  }
0x1f: {  	s9 =	smul.u32 $0xF7A, s1;
	s8 =	simm.s32 @!p0 $0x1BF5;
	p2 =	por !p2, p0  }
0x20: {  	[sflag:s8] =	ssyncset.s32 @!p0 $0xFFFFF086;
	s6 =	sadd.s32 @!p0 s3, s7;
	s7 =	simm.s32 @!p0 $0x108  }
0x21: {  	s3 =	sadd.s32 s3, s9;
	s6 =	sadd.s32 @!p0 $0x88, s6;
	s7 =	simm.s32 @p2 $0x1082  }
0x22: {  	[simem:s7], [sflag:s8] =	dma.local @!p0 [hbm:s6], $0xF7A  }
0x23: {  	s9 =	sor.u32 $0xD0000000, s2;
	s6 =	simm.s32 $0x108;
	_ =	swait.ge @!p0 [sflag:s8], $0x0  }
0x24: {  	s3 =	sadd.s32 $0x88, s3;
	s6 =	simm.s32 @!p1 $0x1082;
	[sflag:s4] =	ssyncset.s32 $0xFFFFF086  }
0x25: {  	[simem:s6], [sflag:s4] =	dma.local [hbm:s3], $0xF7A  }
0x26: {  	[smem:$0x3F9E] =	sst s1;
	(tag) =	ssettag s2;
	_ =	strace s9  }
0x27: {  	s1 =	sld [smem:$0x3FAE]  }
0x28: {  	s2 =	sld [smem:$0x3FAF]  }
0x29: {  	s4 =	sld [smem:$0x3FB1]  }
0x2a: {  	p0 =	seq.s32 s5, $0x0;
	s5 =	sld [smem:$0x3FB2]  }
0x2b: {  	s6 =	sld [smem:$0x3FB3]  }
0x2c: {  	s7 =	sld [smem:$0x3FB4]  }
0x2d: {  	s3 =	simm.s32 $0x108;
	s8 =	sld [smem:$0x3FB5]  }
0x2e: {  	s3 =	simm.s32 @!p0 $0x1082;
	s9 =	sld [smem:$0x3FB6]  }
0x2f: {  	lr =	sadd.s32 s0, s3;
	s0 =	sld [smem:$0x3FAD]  }
0x30: {  	s3 =	sld [smem:$0x3FB0]  }
0x31: {  	[smem:$0x3FB9] =	sst s10  }
0x32: {  	s10 =	sld [smem:$0x3FB7];
	_ =	sdelay $0x3  }
0x33: {  	p0 =	seq.s32 s10, $0x1;
	s10 =	sld [smem:$0x3FB9];
	_ =	sdelay $0x3  }
0x34: {  	[smem:$0x3FB9] =	sst s10  }
0x35: {  	s10 =	sld [smem:$0x3FB8];
	_ =	sdelay $0x3  }
0x36: {  	p1 =	seq.s32 s10, $0x1;
	s10 =	sld [smem:$0x3FB9];
	_ =	sdelay $0x3  }
0x37: {  	[smem:$0x3FB9] =	sst s10  }
0x38: {  	s10 =	sld [smem:$0x3FBA]  }
0x39: {  	_ = 	snop;
	(pc) =	sbr.ind lr, $3  }
0x3a: {  	_ = 	snop  }
0x3b: {  	_ = 	snop  }
0x3c: {  	p2 =	seq.s32 s10, $0x1;
	s10 =	sld [smem:$0x3FB9]  }
0x3d: {  	_ =	shalt  }
0x3e: {  	_ =	shalt  }
0x3f: {  	_ =	shalt  }
0x40: {  	_ =	shalt  }
0x41: {  	_ =	shalt  }
0x42: {  	_ =	shalt  }
0x43: {  	_ =	shalt  }
0x44: {  	_ =	shalt  }
0x45: {  	_ =	shalt  }
0x46: {  	_ =	shalt  }
0x47: {  	_ =	shalt  }
0x48: {  	_ =	shalt  }
0x49: {  	_ =	shalt  }
0x4a: {  	_ =	shalt  }
0x4b: {  	_ =	shalt  }
0x4c: {  	_ =	shalt  }
0x4d: {  	_ =	shalt  }
0x4e: {  	_ =	shalt  }
0x4f: {  	_ =	shalt  }
0x50: {  	_ =	shalt  }
0x51: {  	_ =	shalt  }
0x52: {  	_ =	shalt  }
0x53: {  	_ =	shalt  }
0x54: {  	_ =	shalt  }
0x55: {  	_ =	shalt  }
0x56: {  	_ =	shalt  }
0x57: {  	_ =	shalt  }
0x58: {  	_ =	shalt  }
0x59: {  	_ =	shalt  }
0x5a: {  	_ =	shalt  }
0x5b: {  	_ =	shalt  }
0x5c: {  	_ =	shalt  }
0x5d: {  	_ =	shalt  }
0x5e: {  	_ =	shalt  }
0x5f: {  	_ =	shalt  }
0x60: {  	_ =	shalt  }
0x61: {  	_ =	shalt  }
0x62: {  	_ =	shalt  }
0x63: {  	_ =	shalt  }
0x64: {  	_ =	shalt  }
0x65: {  	_ =	shalt  }
0x66: {  	_ =	shalt  }
0x67: {  	_ =	shalt  }
0x68: {  	_ =	shalt  }
0x69: {  	_ =	shalt  }
0x6a: {  	_ =	shalt  }
0x6b: {  	_ =	shalt  }
0x6c: {  	_ =	shalt  }
0x6d: {  	_ =	shalt  }
0x6e: {  	_ =	shalt  }
0x6f: {  	_ =	shalt  }
0x70: {  	_ =	shalt  }
0x71: {  	_ =	shalt  }
0x72: {  	_ =	shalt  }
0x73: {  	_ =	shalt  }
0x74: {  	_ =	shalt  }
0x75: {  	_ =	shalt  }
0x76: {  	_ =	shalt  }
0x77: {  	_ =	shalt  }
0x78: {  	_ =	shalt  }
0x79: {  	_ =	shalt  }
0x7a: {  	_ =	shalt  }
0x7b: {  	_ =	shalt  }
0x7c: {  	_ =	shalt  }
0x7d: {  	_ =	shalt  }
0x7e: {  	_ =	shalt  }
0x7f: {  	_ =	shalt  }
0x80: {  	_ =	shalt  }
0x81: {  	_ =	shalt  }
0x82: {  	_ =	shalt  }
0x83: {  	_ =	shalt  }
0x84: {  	_ =	shalt  }
0x85: {  	_ =	shalt  }
0x86: {  	_ =	shalt  }
0x87: {  	_ =	shalt  }
.Lfunc_end0:
.L_simem_size_0:
called_computation_lowered:
.L_overlay_start_0:
0x88: {  	s2 =	sld [smem:$0x3FD9]  }
0x89: {  	s3 =	sld [smem:$0x3FFE];
	_ =	sdelay $0x1  }
0x8a: {  	s1 =	srdreg.scid  }
0x8b: {  	s0 =	sand.u32 $0x1, s1  }
0x8c: {  	s17 =	sshll.u32 s0, $0xA;
	s2 =	sadd.s32 s3, s2  }
0x8d: {  	s2 =	sadd.s32 s2, s17  }
0x8e: {  	[smem:$0x3FC5] =	sst s2  }
0x8f: {  	_ = 	snop  }
0x90: {  	s2 =	sld [smem:$0x3FC9]  }
0x91: {  	s18 =	sld [smem:$0x3FC8];
	(tm) =	ssettm $0x1  }
0x92: {  	s4 =	sld [smem:$0x3FFB];
	_ =	sdelay $0x3  }
0x93: {  	_ =	strace s4  }
0x94: {  	s4 =	sld [smem:$0x3FFC];
	_ =	sdelay $0x3  }
0x95: {  	_ =	strace s4  }
0x96: {  	s4 =	sld [smem:$0x3FFD];
	_ =	sdelay $0x3  }
0x97: {  	_ =	strace s4  }
0x98: {  	_ =	strace $0x8FFFFFFF  }
0x99: {  	s19 =	sld [smem:$0x3FDB];
	_ =	sdelay $0x1  }
0x9a: {  	s5 =	simm.s32 $_scs_section_size  }
0x9b: {  	s6 =	simm.s32 $_size__tile_overlayer_lowered;
	s7 =	simm.s32 $_tile_overlayer_lowered  }
0x9c: {  	s22 =	simm.s32 $0x1BFF;
	s21 =	sshll.u32 s7, $0x1;
	s4 =	sadd.s32 s5, s19  }
0x9d: {  	s8 =	simm.s32 $0x0;
	s20 =	sshll.u32 s6, $0x1;
	s6 =	sadd.s32 s21, s4  }
0x9e: {  	[timem:s8], [sflag:s22] =	dma.local [hbm:s6], s20  }
0x9f: {  	_ =	swait.ge [sflag:s22], s20  }
0xa0: {  	s5 =	ssub.s32 $0x0, s20;
	[sflag:s22] =	ssyncset.done $0x0  }
0xa1: {  	[sflag:s22] =	ssyncadd.s32 s5;
	_ =	sdelay $0x1  }
0xa2: {  	s23 =	simm.s32 $0x1B8B  }
0xa3: {  	_ =	swait.ge [sflag:s23], $0x1  }
0xa4: {  	[sflag:s23] =	ssyncset.done $0x0  }
0xa5: {  	s25 =	simm.s32 $0x1B8E;
	s24 =	sld [smem:$0x3FFE];
	[sflag:s23] =	ssyncadd.s32 $0xFFFFFFFF  }
0xa6: {  	s26 =	simm.s32 $execute0_lowered;
	[smem:$0x3FD2] =	sst s25  }
0xa7: {  	s6 =	sshll.u32 s26, $0x1;
	_ =	strace $0x80000046;
	[dreg:$0x1] =	wrdreg $0xFFFFFFFF  }
0xa8: {  	s28 =	simm.s32 $_size_execute0_lowered;
	s4 =	sadd.s32 s4, s6;
	[dreg:$0x0] =	wrdreg $0x0  }
0xa9: {  	s6 =	sshll.u32 s28, $0x1;
	[dreg:$0x2] =	wrdreg s4  }
0xaa: {  	[dreg:$0x3] =	wrdreg s6  }
0xab: {  	[dreg:$0x4] =	wrdreg $0xC0  }
0xac: {  	_ =	task [dreg:s8], $0x5FFFF  }
0xad: {  	[dreg:$0x1] =	wrdreg $0xFFFFFFFF  }
0xae: {  	[dreg:$0x0] =	wrdreg $0x60  }
0xaf: {  	[dreg:$0x2] =	wrdreg s2  }
0xb0: {  	[dreg:$0x3] =	wrdreg s18  }
0xb1: {  	[dreg:$0x4] =	wrdreg s24  }
0xb2: {  	[dreg:$0x5] =	wrdreg $0x9  }
0xb3: {  	_ =	task.clear_ibuf [dreg:s8], $0x6FFFF;
	_ =	strace $0x90000046  }
0xb4: {  	s29 =	simm.s32 $0x9;
	_ =	strace $0x80000048  }
0xb5: {  	_ =	swait.ge [sflag:s29], $0x1  }
0xb6: {  	[sflag:s29] =	ssyncadd.s32 $0xFFFFFFFF  }
0xb7: {  	_ =	strace $0x90000048  }
0xb8: {  	_ =	sfence  }
0xb9: {  	s30 =	sld [smem:$0x0];
	_ =	sdelay $0x2  }
0xba: {  	s31 =	sshll.u32 s1, $0xD;
	s1 =	sshrl.u32 s1, $0x2  }
0xbb: {  	s3 =	sand.u32 $0x4000, s31;
	s1 =	sadd.s32 s1, s30  }
0xbc: {  	s0 =	sor.u32 s3, s0;
	s1 =	sshll.u32 s1, $0x11  }
0xbd: {  	s0 =	sor.u32 s1, s0  }
0xbe: {  	s0 =	sadd.s32 $0x8F2B, s0  }
0xbf: {  	[sflag:s0] =	ssyncadd.remote.s32 $0x1  }
0xc0: {  	_ =	sfence.sel $0xFFFF  }
0xc1: {  	[dreg:$0x0] =	wrdreg $0xFFFFFFFF;
	(pc) =	sbr.abs _section_cstart, $3  }
0xc2: {  	[dreg:$0x1] =	wrdreg $0xFFFFFFFF  }
0xc3: {  	_ =	task.clear_ibuf [dreg:s8], $0x2FFFF;
	_ =	strace $0x9FFFFFFF  }
0xc4: {  	(tm) =	ssettm $0x7FFFFFFF  }
0xc5: {  	_ =	shalt  }
tec
execute0_lowered:
.L_overlay_start_1:
0x0: {  	(tag) =	ssettag $0x1  }
0x1: {  	s18 =	rddreg [dreg:$0x0]  }
0x2: {  	s1 =	srdreg.scid;
	s19 =	rddreg [dreg:$0x1]  }
0x3: {  	s0 =	stileid.u32;
	s5 =	rddreg [dreg:$0x2]  }
0x4: {  	s2 =	simm.s32 $0x0;
	s15 =	simm.s32 $0xC0;
	s4 =	sshrl.u32 s0, $0x3  }
0x5: {  	s3 =	sand.u32 $0x1, s1;
	s29 =	sshll.u32 s0, $0x1;
	s7 =	smul.u32 $0xFFFFFFA0, s4  }
0x6: {  	[smem:$0x7FF] =	sst s2;
	s1 =	sor.u32 s3, s29;
	s8 =	smul.u32 $0x2A0000, s4  }
0x7: {  	s20 =	sadd.s32 $0x400, s5;
	p0 =	sgt.u32 s0, $0x7;
	s6 =	smul.u32 $0x6, s1  }
0x8: {  	s9 =	smul.u32 $0xC0, s4;
	s3 =	ssub.s32 $0x2, s3;
	s15 =	simm.s32 @!p0 $0x0  }
0x9: {  	s1 =	rddreg [dreg:$0x3];
	_ =	strace $0x80000047;
	s7 =	sadd.s32 s7, s6  }
0xa: {  	s31 =	sshrl.u32 s3, $0x1;
	s30 =	smul.u32 $0x7000, s7;
	s10 =	sadd.s32 s9, s7  }
0xb: {  	s21 =	ssub.s32 s3, s31;
	s7 =	sor.u32 $0x1, s7;
	s10 =	smul.u32 $0xC400, s10  }
0xc: {  	s21 =	smax.u32 s21, $0x1;
	s11 =	smul.u32 $0x7000, s7;
	s7 =	sadd.s32 s9, s7  }
0xd: {  	s9 =	simm.s32 $0x2A0000;
	s4 =	sadd.s32 s8, s30;
	s13 =	smul.u32 $0xC400, s7  }
0xe: {  	s9 =	simm.s32 @!p0 $0x0;
	s8 =	sadd.s32 s8, s11;
	s11 =	simm.s32 $0xFFFFFFA0  }
0xf: {  	s4 =	sshrl.u32 s4, $0x3;
	s10 =	sshrl.u32 s10, $0x3;
	s11 =	simm.s32 @!p0 $0x0  }
0x10: {  	s3 =	sadd.s32 s18, s4;
	s4 =	sadd.s32 s19, s4;
	s14 =	sadd.s32 s11, s6  }
0x11: {  	s5 =	sadd.s32 s20, s10;
	s12 =	smul.u32 $0x7000, s14;
	s16 =	sadd.s32 s15, s14  }
0x12: {  	s8 =	sshrl.u32 s8, $0x3;
	s22 =	sshrl.u32 s13, $0x3;
	s16 =	smul.u32 $0xC400, s16  }
0x13: {  	s6 =	sadd.s32 s18, s8;
	s7 =	sadd.s32 s19, s8;
	s17 =	sadd.s32 s9, s12  }
0x14: {  	s8 =	sadd.s32 s20, s22;
	s9 =	sadd.s32 $0xE000, s17;
	s24 =	sadd.s32 $0x18800, s16  }
0x15: {  	s12 =	sadd.s32 $0x15000, s17;
	s22 =	sadd.s32 $0x24C00, s16;
	s28 =	sadd.s32 $0x31000, s16  }
0x16: {  	s30 =	sadd.s32 $0x23000, s17;
	s23 =	sshrl.u32 s9, $0x3;
	s11 =	sshrl.u32 s24, $0x3  }
0x17: {  	s13 =	sshrl.u32 s12, $0x3;
	s22 =	sshrl.u32 s22, $0x3;
	s24 =	sadd.s32 $0x5, s14  }
0x18: {  	s29 =	sshrl.u32 s28, $0x3;
	s31 =	sshrl.u32 s30, $0x3;
	s9 =	sadd.s32 s18, s23  }
0x19: {  	s10 =	sadd.s32 s19, s23;
	s11 =	sadd.s32 s20, s11;
	s12 =	sadd.s32 s18, s13  }
0x1a: {  	s13 =	sadd.s32 s19, s13;
	s23 =	sadd.s32 $0x1C000, s17;
	s14 =	sadd.s32 s20, s22  }
0x1b: {  	s26 =	sadd.s32 s15, s24;
	s17 =	sadd.s32 s20, s29;
	s22 =	simm.s32 $0x7000  }
0x1c: {  	s24 =	simm.s32 $0xE000;
	s25 =	sshrl.u32 s23, $0x3;
	s23 =	smul.u32 $0xC400, s26  }
0x1d: {  	s26 =	simm.s32 $0x0;
	s15 =	sadd.s32 s18, s25;
	s16 =	sadd.s32 s19, s25  }
0x1e: {  	s18 =	sadd.s32 s18, s31;
	s19 =	sadd.s32 s19, s31;
	s23 =	sshrl.u32 s23, $0x3  }
0x1f: {  	v0 =	vimm.f32 $0.0e+00;
	s25 =	simm.s32 $0x2;
	s20 =	sadd.s32 s20, s23;
	s23 =	simm.s32 $0x1  }
.LBB2_1:
0x20: {  	[tilespmem:s2], [sflag:$0x1] =	stream.linear.gather [hbm4b:s3+s2], $0x7000, $0x38;
	[tilespmem:$0x1A400] =	vst v63  }
0x21: {  	s28 =	simm.s32 $0x0;
	s29 =	simm.s32 $0x400  }
0x22: {  	[tilespmem:s22], [sflag:$0x1] =	stream.linear.gather [hbm4b:s4+s2], $0x7000, $0x38;
	[tilespmem:$0x1A400] =	vst v63  }
.LBB2_2:
0x23: {  	p0 =	sne.s32 s29, $0x30C00;
	[tilespmem:s28+$0xE0F0] =	vst v0  }
0x24: {  	[tilespmem:s28+$0xE000] =	vst v0  }
0x25: {  	[tilespmem:s28+$0xE010] =	vst v0  }
0x26: {  	[tilespmem:s28+$0xE020] =	vst v0  }
0x27: {  	[tilespmem:s28+$0xE030] =	vst v0  }
0x28: {  	[tilespmem:s28+$0xE040] =	vst v0  }
0x29: {  	[tilespmem:s28+$0xE050] =	vst v0  }
0x2a: {  	[tilespmem:s28+$0xE060] =	vst v0  }
0x2b: {  	[tilespmem:s28+$0xE070] =	vst v0  }
0x2c: {  	[tilespmem:s28+$0xE080] =	vst v0  }
0x2d: {  	[tilespmem:s28+$0xE090] =	vst v0  }
.Ltmp0:
0x2e: {  	[tilespmem:s28+$0xE0A0] =	vst v0;
	(pc) =	sbr.rel @p0 .LBB2_2-.Ltmp0, $4  }
0x2f: {  	[tilespmem:s28+$0xE0B0] =	vst v0  }
0x30: {  	[tilespmem:s28+$0xE0C0] =	vst v0  }
0x31: {  	[tilespmem:s28+$0xE0D0] =	vst v0  }
0x32: {  	[tilespmem:s28+$0xE0E0] =	vst v0;
	s28 =	sshra.s32 s29, $0x2;
	s29 =	sadd.s32 $0x400, s29  }
0x33: {  	[tilespmem:s28+$0xE0F0] =	vst v0  }
0x34: {  	[tilespmem:s28+$0xE000] =	vst v0  }
0x35: {  	[tilespmem:s28+$0xE010] =	vst v0  }
0x36: {  	[tilespmem:s28+$0xE020] =	vst v0  }
0x37: {  	[tilespmem:s28+$0xE030] =	vst v0  }
0x38: {  	[tilespmem:s28+$0xE040] =	vst v0  }
0x39: {  	[tilespmem:s28+$0xE050] =	vst v0  }
0x3a: {  	[tilespmem:s28+$0xE060] =	vst v0  }
0x3b: {  	[tilespmem:s28+$0xE070] =	vst v0  }
0x3c: {  	[tilespmem:s28+$0xE080] =	vst v0  }
0x3d: {  	[tilespmem:s28+$0xE090] =	vst v0  }
0x3e: {  	[tilespmem:s28+$0xE0A0] =	vst v0  }
0x3f: {  	[tilespmem:s28+$0xE0B0] =	vst v0  }
0x40: {  	[tilespmem:s28+$0xE0C0] =	vst v0  }
0x41: {  	[tilespmem:s28+$0xE0D0] =	vst v0  }
0x42: {  	[tilespmem:s28+$0xE0E0] =	vst v0  }
0x43: {  	_ =	swait.ge [sflag:s23], $0x7000  }
0x44: {  	[sflag:s23] =	ssyncset.done $0x0  }
0x45: {  	[sflag:s23] =	ssyncadd.s32 $0xFFFF9000  }
0x46: {  	_ =	swait.ge [sflag:s23], $0x7000  }
0x47: {  	[sflag:s23] =	ssyncset.done $0x0  }
0x48: {  	s28 =	simm.s32 $0x0;
	[sflag:s23] =	ssyncadd.s32 $0xFFFF9000  }
0x49: {  	v1 =	vld [tilespmem:s28+$0x7050]  }
0x4a: {  	v3 =	vld [tilespmem:s28+$0x10]  }
0x4b: {  	v2 =	vld [tilespmem:s28+$0x7030]  }
0x4c: {  	v4 =	vld [tilespmem:s28+$0x7020]  }
0x4d: {  	v7 =	vld [tilespmem:s28+$0x0]  }
0x4e: {  	v8 =	vld [tilespmem:s28+$0x7010]  }
0x4f: {  	v10 =	vld [tilespmem:s28+$0x7000]  }
0x50: {  	v6 =	vld [tilespmem:s28+$0x7040]  }
0x51: {  	v9 =	vld [tilespmem:s28+$0x30]  }
0x52: {  	v5 =	vld [tilespmem:s28+$0x7060]  }
0x53: {  	v11 =	vld [tilespmem:s28+$0x40]  }
0x54: {  	v13 =	vld [tilespmem:s28+$0x20]  }
0x55: {  	s29 =	simm.s32 $0x200;
	v12 =	vld [tilespmem:s28+$0x60]  }
.LBB2_4:
0x56: {  	p0 =	sne.s32 s29, $0x1BE00;
	v14 =	vld [tilespmem:s28+$0x50];
	s28 =	smov.u32 s29;
	s29 =	sadd.s32 $0x200, s29  }
0x57: {  	[tilespmem:v10+s24+$0x0] =	vst.idx.msk $0xffff, v7  }
0x58: {  	[tilespmem:v8+s24+$0x0] =	vst.idx.msk $0xffff, v3  }
0x59: {  	[tilespmem:v4+s24+$0x0] =	vst.idx.msk $0xffff, v13  }
0x5a: {  	[tilespmem:v2+s24+$0x0] =	vst.idx.msk $0xffff, v9  }
0x5b: {  	[tilespmem:v6+s24+$0x0] =	vst.idx.msk $0xffff, v11  }
0x5c: {  	s28 =	sshra.s32 s28, $0x2;
	[tilespmem:v1+s24+$0x0] =	vst.idx.msk $0xffff, v14  }
0x5d: {  	[tilespmem:v5+s24+$0x0] =	vst.idx.msk $0xffff, v12  }
0x5e: {  	v1 =	vld [tilespmem:s28+$0x7050]  }
0x5f: {  	v3 =	vld [tilespmem:s28+$0x10]  }
0x60: {  	v2 =	vld [tilespmem:s28+$0x7030]  }
0x61: {  	v4 =	vld [tilespmem:s28+$0x7020]  }
0x62: {  	v7 =	vld [tilespmem:s28+$0x0]  }
0x63: {  	v8 =	vld [tilespmem:s28+$0x7010]  }
0x64: {  	v10 =	vld [tilespmem:s28+$0x7000]  }
0x65: {  	v6 =	vld [tilespmem:s28+$0x7040]  }
.Ltmp1:
0x66: {  	v9 =	vld [tilespmem:s28+$0x30];
	(pc) =	sbr.rel @p0 .LBB2_4-.Ltmp1, $4  }
0x67: {  	v5 =	vld [tilespmem:s28+$0x7060]  }
0x68: {  	v11 =	vld [tilespmem:s28+$0x40]  }
0x69: {  	v13 =	vld [tilespmem:s28+$0x20]  }
0x6a: {  	v12 =	vld [tilespmem:s28+$0x60]  }
0x6b: {  	_ =	sdelay $0x3  }
0x6c: {  	v14 =	vld [tilespmem:s28+$0x50];
	[tilespmem:v10+s24+$0x0] =	vst.idx.msk $0xffff, v7  }
0x6d: {  	[tilespmem:v8+s24+$0x0] =	vst.idx.msk $0xffff, v3  }
0x6e: {  	[tilespmem:v4+s24+$0x0] =	vst.idx.msk $0xffff, v13  }
0x6f: {  	[tilespmem:v2+s24+$0x0] =	vst.idx.msk $0xffff, v9  }
0x70: {  	[tilespmem:v6+s24+$0x0] =	vst.idx.msk $0xffff, v11  }
0x71: {  	[tilespmem:v1+s24+$0x0] =	vst.idx.msk $0xffff, v14  }
0x72: {  	s28 =	simm.s32 $0x0;
	[tilespmem:v5+s24+$0x0] =	vst.idx.msk $0xffff, v12  }
0x73: {  	[hbm4b:s5+s28] =	stream.linear.scatter [tilespmem:s24], [sflag:$0x2], $0xC400, $0x38;
	[tilespmem:$0x1A400] =	vst v63  }
0x74: {  	_ = 	snop  }
0x75: {  	[tilespmem:s28], [sflag:$0x1] =	stream.linear.gather [hbm4b:s6+s28], $0x7000, $0x38;
	[tilespmem:$0x1A400] =	vst v63  }
0x76: {  	_ = 	snop  }
0x77: {  	[tilespmem:s22], [sflag:$0x1] =	stream.linear.gather [hbm4b:s7+s28], $0x7000, $0x38;
	[tilespmem:$0x1A400] =	vst v63  }
0x78: {  	_ =	swait.ge [sflag:s25], $0xC400  }
0x79: {  	[sflag:s25] =	ssyncset.done $0x0  }
0x7a: {  	s29 =	simm.s32 $0x400;
	s28 =	simm.s32 $0x0;
	[sflag:s25] =	ssyncadd.s32 $0xFFFF3C00  }
.LBB2_6:
0x7b: {  	p0 =	sne.s32 s29, $0x30C00;
	[tilespmem:s28+$0xE0F0] =	vst v0  }
0x7c: {  	[tilespmem:s28+$0xE000] =	vst v0  }
0x7d: {  	[tilespmem:s28+$0xE010] =	vst v0  }
0x7e: {  	[tilespmem:s28+$0xE020] =	vst v0  }
0x7f: {  	[tilespmem:s28+$0xE030] =	vst v0  }
0x80: {  	[tilespmem:s28+$0xE040] =	vst v0  }
0x81: {  	[tilespmem:s28+$0xE050] =	vst v0  }
0x82: {  	[tilespmem:s28+$0xE060] =	vst v0  }
0x83: {  	[tilespmem:s28+$0xE070] =	vst v0  }
0x84: {  	[tilespmem:s28+$0xE080] =	vst v0  }
0x85: {  	[tilespmem:s28+$0xE090] =	vst v0  }
.Ltmp2:
0x86: {  	[tilespmem:s28+$0xE0A0] =	vst v0;
	(pc) =	sbr.rel @p0 .LBB2_6-.Ltmp2, $4  }
0x87: {  	[tilespmem:s28+$0xE0B0] =	vst v0  }
0x88: {  	[tilespmem:s28+$0xE0C0] =	vst v0  }
0x89: {  	[tilespmem:s28+$0xE0D0] =	vst v0  }
0x8a: {  	[tilespmem:s28+$0xE0E0] =	vst v0;
	s28 =	sshra.s32 s29, $0x2;
	s29 =	sadd.s32 $0x400, s29  }
0x8b: {  	[tilespmem:s28+$0xE0F0] =	vst v0  }
0x8c: {  	[tilespmem:s28+$0xE000] =	vst v0  }
0x8d: {  	[tilespmem:s28+$0xE010] =	vst v0  }
0x8e: {  	[tilespmem:s28+$0xE020] =	vst v0  }
0x8f: {  	[tilespmem:s28+$0xE030] =	vst v0  }
0x90: {  	[tilespmem:s28+$0xE040] =	vst v0  }
0x91: {  	[tilespmem:s28+$0xE050] =	vst v0  }
0x92: {  	[tilespmem:s28+$0xE060] =	vst v0  }
0x93: {  	[tilespmem:s28+$0xE070] =	vst v0  }
0x94: {  	[tilespmem:s28+$0xE080] =	vst v0  }
0x95: {  	[tilespmem:s28+$0xE090] =	vst v0  }
0x96: {  	[tilespmem:s28+$0xE0A0] =	vst v0  }
0x97: {  	[tilespmem:s28+$0xE0B0] =	vst v0  }
0x98: {  	[tilespmem:s28+$0xE0C0] =	vst v0  }
0x99: {  	[tilespmem:s28+$0xE0D0] =	vst v0  }
0x9a: {  	[tilespmem:s28+$0xE0E0] =	vst v0  }
0x9b: {  	_ =	swait.ge [sflag:s23], $0x7000  }
0x9c: {  	[sflag:s23] =	ssyncset.done $0x0  }
0x9d: {  	[sflag:s23] =	ssyncadd.s32 $0xFFFF9000  }
0x9e: {  	_ =	swait.ge [sflag:s23], $0x7000  }
0x9f: {  	[sflag:s23] =	ssyncset.done $0x0  }
0xa0: {  	s28 =	simm.s32 $0x0;
	[sflag:s23] =	ssyncadd.s32 $0xFFFF9000  }
0xa1: {  	v1 =	vld [tilespmem:s28+$0x7050]  }
0xa2: {  	v3 =	vld [tilespmem:s28+$0x10]  }
0xa3: {  	v2 =	vld [tilespmem:s28+$0x7030]  }
0xa4: {  	v4 =	vld [tilespmem:s28+$0x7020]  }
0xa5: {  	v7 =	vld [tilespmem:s28+$0x0]  }
0xa6: {  	v8 =	vld [tilespmem:s28+$0x7010]  }
0xa7: {  	v10 =	vld [tilespmem:s28+$0x7000]  }
0xa8: {  	v6 =	vld [tilespmem:s28+$0x7040]  }
0xa9: {  	v9 =	vld [tilespmem:s28+$0x30]  }
0xaa: {  	v5 =	vld [tilespmem:s28+$0x7060]  }
0xab: {  	v11 =	vld [tilespmem:s28+$0x40]  }
0xac: {  	v13 =	vld [tilespmem:s28+$0x20]  }
0xad: {  	s29 =	simm.s32 $0x200;
	v12 =	vld [tilespmem:s28+$0x60]  }
.LBB2_8:
0xae: {  	p0 =	sne.s32 s29, $0x1BE00;
	v14 =	vld [tilespmem:s28+$0x50];
	s28 =	smov.u32 s29;
	s29 =	sadd.s32 $0x200, s29  }
0xaf: {  	[tilespmem:v10+s24+$0x0] =	vst.idx.msk $0xffff, v7  }
0xb0: {  	[tilespmem:v8+s24+$0x0] =	vst.idx.msk $0xffff, v3  }
0xb1: {  	[tilespmem:v4+s24+$0x0] =	vst.idx.msk $0xffff, v13  }
0xb2: {  	[tilespmem:v2+s24+$0x0] =	vst.idx.msk $0xffff, v9  }
0xb3: {  	[tilespmem:v6+s24+$0x0] =	vst.idx.msk $0xffff, v11  }
0xb4: {  	s28 =	sshra.s32 s28, $0x2;
	[tilespmem:v1+s24+$0x0] =	vst.idx.msk $0xffff, v14  }
0xb5: {  	[tilespmem:v5+s24+$0x0] =	vst.idx.msk $0xffff, v12  }
0xb6: {  	v1 =	vld [tilespmem:s28+$0x7050]  }
0xb7: {  	v3 =	vld [tilespmem:s28+$0x10]  }
0xb8: {  	v2 =	vld [tilespmem:s28+$0x7030]  }
0xb9: {  	v4 =	vld [tilespmem:s28+$0x7020]  }
0xba: {  	v7 =	vld [tilespmem:s28+$0x0]  }
0xbb: {  	v8 =	vld [tilespmem:s28+$0x7010]  }
0xbc: {  	v10 =	vld [tilespmem:s28+$0x7000]  }
0xbd: {  	v6 =	vld [tilespmem:s28+$0x7040]  }
.Ltmp3:
0xbe: {  	v9 =	vld [tilespmem:s28+$0x30];
	(pc) =	sbr.rel @p0 .LBB2_8-.Ltmp3, $4  }
0xbf: {  	v5 =	vld [tilespmem:s28+$0x7060]  }
0xc0: {  	v11 =	vld [tilespmem:s28+$0x40]  }
0xc1: {  	v13 =	vld [tilespmem:s28+$0x20]  }
0xc2: {  	v12 =	vld [tilespmem:s28+$0x60]  }
0xc3: {  	_ =	sdelay $0x3  }
0xc4: {  	v14 =	vld [tilespmem:s28+$0x50];
	[tilespmem:v10+s24+$0x0] =	vst.idx.msk $0xffff, v7  }
0xc5: {  	[tilespmem:v8+s24+$0x0] =	vst.idx.msk $0xffff, v3  }
0xc6: {  	[tilespmem:v4+s24+$0x0] =	vst.idx.msk $0xffff, v13  }
0xc7: {  	[tilespmem:v2+s24+$0x0] =	vst.idx.msk $0xffff, v9  }
0xc8: {  	[tilespmem:v6+s24+$0x0] =	vst.idx.msk $0xffff, v11  }
0xc9: {  	[tilespmem:v1+s24+$0x0] =	vst.idx.msk $0xffff, v14  }
0xca: {  	s28 =	simm.s32 $0x0;
	[tilespmem:v5+s24+$0x0] =	vst.idx.msk $0xffff, v12  }
0xcb: {  	[hbm4b:s8+s28] =	stream.linear.scatter [tilespmem:s24], [sflag:$0x2], $0xC400, $0x38;
	[tilespmem:$0x1A400] =	vst v63  }
0xcc: {  	_ = 	snop  }
0xcd: {  	[tilespmem:s28], [sflag:$0x1] =	stream.linear.gather [hbm4b:s9+s28], $0x7000, $0x38;
	[tilespmem:$0x1A400] =	vst v63  }
0xce: {  	_ = 	snop  }
0xcf: {  	[tilespmem:s22], [sflag:$0x1] =	stream.linear.gather [hbm4b:s10+s28], $0x7000, $0x38;
	[tilespmem:$0x1A400] =	vst v63  }
0xd0: {  	_ =	swait.ge [sflag:s25], $0xC400  }
0xd1: {  	[sflag:s25] =	ssyncset.done $0x0  }
0xd2: {  	s29 =	simm.s32 $0x400;
	s28 =	simm.s32 $0x0;
	[sflag:s25] =	ssyncadd.s32 $0xFFFF3C00  }
.LBB2_10:
0xd3: {  	p0 =	sne.s32 s29, $0x30C00;
	[tilespmem:s28+$0xE0F0] =	vst v0  }
0xd4: {  	[tilespmem:s28+$0xE000] =	vst v0  }
0xd5: {  	[tilespmem:s28+$0xE010] =	vst v0  }
0xd6: {  	[tilespmem:s28+$0xE020] =	vst v0  }
0xd7: {  	[tilespmem:s28+$0xE030] =	vst v0  }
0xd8: {  	[tilespmem:s28+$0xE040] =	vst v0  }
0xd9: {  	[tilespmem:s28+$0xE050] =	vst v0  }
0xda: {  	[tilespmem:s28+$0xE060] =	vst v0  }
0xdb: {  	[tilespmem:s28+$0xE070] =	vst v0  }
0xdc: {  	[tilespmem:s28+$0xE080] =	vst v0  }
0xdd: {  	[tilespmem:s28+$0xE090] =	vst v0  }
.Ltmp4:
0xde: {  	[tilespmem:s28+$0xE0A0] =	vst v0;
	(pc) =	sbr.rel @p0 .LBB2_10-.Ltmp4, $4  }
0xdf: {  	[tilespmem:s28+$0xE0B0] =	vst v0  }
0xe0: {  	[tilespmem:s28+$0xE0C0] =	vst v0  }
0xe1: {  	[tilespmem:s28+$0xE0D0] =	vst v0  }
0xe2: {  	[tilespmem:s28+$0xE0E0] =	vst v0;
	s28 =	sshra.s32 s29, $0x2;
	s29 =	sadd.s32 $0x400, s29  }
0xe3: {  	[tilespmem:s28+$0xE0F0] =	vst v0  }
0xe4: {  	[tilespmem:s28+$0xE000] =	vst v0  }
0xe5: {  	[tilespmem:s28+$0xE010] =	vst v0  }
0xe6: {  	[tilespmem:s28+$0xE020] =	vst v0  }
0xe7: {  	[tilespmem:s28+$0xE030] =	vst v0  }
0xe8: {  	[tilespmem:s28+$0xE040] =	vst v0  }
0xe9: {  	[tilespmem:s28+$0xE050] =	vst v0  }
0xea: {  	[tilespmem:s28+$0xE060] =	vst v0  }
0xeb: {  	[tilespmem:s28+$0xE070] =	vst v0  }
0xec: {  	[tilespmem:s28+$0xE080] =	vst v0  }
0xed: {  	[tilespmem:s28+$0xE090] =	vst v0  }
0xee: {  	[tilespmem:s28+$0xE0A0] =	vst v0  }
0xef: {  	[tilespmem:s28+$0xE0B0] =	vst v0  }
0xf0: {  	[tilespmem:s28+$0xE0C0] =	vst v0  }
0xf1: {  	[tilespmem:s28+$0xE0D0] =	vst v0  }
0xf2: {  	[tilespmem:s28+$0xE0E0] =	vst v0  }
0xf3: {  	_ =	swait.ge [sflag:s23], $0x7000  }
0xf4: {  	[sflag:s23] =	ssyncset.done $0x0  }
0xf5: {  	[sflag:s23] =	ssyncadd.s32 $0xFFFF9000  }
0xf6: {  	_ =	swait.ge [sflag:s23], $0x7000  }
0xf7: {  	[sflag:s23] =	ssyncset.done $0x0  }
0xf8: {  	s28 =	simm.s32 $0x0;
	[sflag:s23] =	ssyncadd.s32 $0xFFFF9000  }
0xf9: {  	v1 =	vld [tilespmem:s28+$0x7050]  }
0xfa: {  	v3 =	vld [tilespmem:s28+$0x10]  }
0xfb: {  	v2 =	vld [tilespmem:s28+$0x7030]  }
0xfc: {  	v4 =	vld [tilespmem:s28+$0x7020]  }
0xfd: {  	v7 =	vld [tilespmem:s28+$0x0]  }
0xfe: {  	v8 =	vld [tilespmem:s28+$0x7010]  }
0xff: {  	v10 =	vld [tilespmem:s28+$0x7000]  }
0x100: {  	v6 =	vld [tilespmem:s28+$0x7040]  }
0x101: {  	v9 =	vld [tilespmem:s28+$0x30]  }
0x102: {  	v5 =	vld [tilespmem:s28+$0x7060]  }
0x103: {  	v11 =	vld [tilespmem:s28+$0x40]  }
0x104: {  	v13 =	vld [tilespmem:s28+$0x20]  }
0x105: {  	s29 =	simm.s32 $0x200;
	v12 =	vld [tilespmem:s28+$0x60]  }
.LBB2_12:
0x106: {  	p0 =	sne.s32 s29, $0x1BE00;
	v14 =	vld [tilespmem:s28+$0x50];
	s28 =	smov.u32 s29;
	s29 =	sadd.s32 $0x200, s29  }
0x107: {  	[tilespmem:v10+s24+$0x0] =	vst.idx.msk $0xffff, v7  }
0x108: {  	[tilespmem:v8+s24+$0x0] =	vst.idx.msk $0xffff, v3  }
0x109: {  	[tilespmem:v4+s24+$0x0] =	vst.idx.msk $0xffff, v13  }
0x10a: {  	[tilespmem:v2+s24+$0x0] =	vst.idx.msk $0xffff, v9  }
0x10b: {  	[tilespmem:v6+s24+$0x0] =	vst.idx.msk $0xffff, v11  }
0x10c: {  	s28 =	sshra.s32 s28, $0x2;
	[tilespmem:v1+s24+$0x0] =	vst.idx.msk $0xffff, v14  }
0x10d: {  	[tilespmem:v5+s24+$0x0] =	vst.idx.msk $0xffff, v12  }
0x10e: {  	v1 =	vld [tilespmem:s28+$0x7050]  }
0x10f: {  	v3 =	vld [tilespmem:s28+$0x10]  }
0x110: {  	v2 =	vld [tilespmem:s28+$0x7030]  }
0x111: {  	v4 =	vld [tilespmem:s28+$0x7020]  }
0x112: {  	v7 =	vld [tilespmem:s28+$0x0]  }
0x113: {  	v8 =	vld [tilespmem:s28+$0x7010]  }
0x114: {  	v10 =	vld [tilespmem:s28+$0x7000]  }
0x115: {  	v6 =	vld [tilespmem:s28+$0x7040]  }
.Ltmp5:
0x116: {  	v9 =	vld [tilespmem:s28+$0x30];
	(pc) =	sbr.rel @p0 .LBB2_12-.Ltmp5, $4  }
0x117: {  	v5 =	vld [tilespmem:s28+$0x7060]  }
0x118: {  	v11 =	vld [tilespmem:s28+$0x40]  }
0x119: {  	v13 =	vld [tilespmem:s28+$0x20]  }
0x11a: {  	v12 =	vld [tilespmem:s28+$0x60]  }
0x11b: {  	_ =	sdelay $0x3  }
0x11c: {  	v14 =	vld [tilespmem:s28+$0x50];
	[tilespmem:v10+s24+$0x0] =	vst.idx.msk $0xffff, v7  }
0x11d: {  	[tilespmem:v8+s24+$0x0] =	vst.idx.msk $0xffff, v3  }
0x11e: {  	[tilespmem:v4+s24+$0x0] =	vst.idx.msk $0xffff, v13  }
0x11f: {  	[tilespmem:v2+s24+$0x0] =	vst.idx.msk $0xffff, v9  }
0x120: {  	[tilespmem:v6+s24+$0x0] =	vst.idx.msk $0xffff, v11  }
0x121: {  	[tilespmem:v1+s24+$0x0] =	vst.idx.msk $0xffff, v14  }
0x122: {  	s28 =	simm.s32 $0x0;
	[tilespmem:v5+s24+$0x0] =	vst.idx.msk $0xffff, v12  }
0x123: {  	[hbm4b:s11+s28] =	stream.linear.scatter [tilespmem:s24], [sflag:$0x2], $0xC400, $0x38;
	[tilespmem:$0x1A400] =	vst v63  }
0x124: {  	_ = 	snop  }
0x125: {  	[tilespmem:s28], [sflag:$0x1] =	stream.linear.gather [hbm4b:s12+s28], $0x7000, $0x38;
	[tilespmem:$0x1A400] =	vst v63  }
0x126: {  	_ = 	snop  }
0x127: {  	[tilespmem:s22], [sflag:$0x1] =	stream.linear.gather [hbm4b:s13+s28], $0x7000, $0x38;
	[tilespmem:$0x1A400] =	vst v63  }
0x128: {  	_ =	swait.ge [sflag:s25], $0xC400  }
0x129: {  	[sflag:s25] =	ssyncset.done $0x0  }
0x12a: {  	s29 =	simm.s32 $0x400;
	s28 =	simm.s32 $0x0;
	[sflag:s25] =	ssyncadd.s32 $0xFFFF3C00  }
.LBB2_14:
0x12b: {  	p0 =	sne.s32 s29, $0x30C00;
	[tilespmem:s28+$0xE0F0] =	vst v0  }
0x12c: {  	[tilespmem:s28+$0xE000] =	vst v0  }
0x12d: {  	[tilespmem:s28+$0xE010] =	vst v0  }
0x12e: {  	[tilespmem:s28+$0xE020] =	vst v0  }
0x12f: {  	[tilespmem:s28+$0xE030] =	vst v0  }
0x130: {  	[tilespmem:s28+$0xE040] =	vst v0  }
0x131: {  	[tilespmem:s28+$0xE050] =	vst v0  }
0x132: {  	[tilespmem:s28+$0xE060] =	vst v0  }
0x133: {  	[tilespmem:s28+$0xE070] =	vst v0  }
0x134: {  	[tilespmem:s28+$0xE080] =	vst v0  }
0x135: {  	[tilespmem:s28+$0xE090] =	vst v0  }
.Ltmp6:
0x136: {  	[tilespmem:s28+$0xE0A0] =	vst v0;
	(pc) =	sbr.rel @p0 .LBB2_14-.Ltmp6, $4  }
0x137: {  	[tilespmem:s28+$0xE0B0] =	vst v0  }
0x138: {  	[tilespmem:s28+$0xE0C0] =	vst v0  }
0x139: {  	[tilespmem:s28+$0xE0D0] =	vst v0  }
0x13a: {  	[tilespmem:s28+$0xE0E0] =	vst v0;
	s28 =	sshra.s32 s29, $0x2;
	s29 =	sadd.s32 $0x400, s29  }
0x13b: {  	[tilespmem:s28+$0xE0F0] =	vst v0  }
0x13c: {  	[tilespmem:s28+$0xE000] =	vst v0  }
0x13d: {  	[tilespmem:s28+$0xE010] =	vst v0  }
0x13e: {  	[tilespmem:s28+$0xE020] =	vst v0  }
0x13f: {  	[tilespmem:s28+$0xE030] =	vst v0  }
0x140: {  	[tilespmem:s28+$0xE040] =	vst v0  }
0x141: {  	[tilespmem:s28+$0xE050] =	vst v0  }
0x142: {  	[tilespmem:s28+$0xE060] =	vst v0  }
0x143: {  	[tilespmem:s28+$0xE070] =	vst v0  }
0x144: {  	[tilespmem:s28+$0xE080] =	vst v0  }
0x145: {  	[tilespmem:s28+$0xE090] =	vst v0  }
0x146: {  	[tilespmem:s28+$0xE0A0] =	vst v0  }
0x147: {  	[tilespmem:s28+$0xE0B0] =	vst v0  }
0x148: {  	[tilespmem:s28+$0xE0C0] =	vst v0  }
0x149: {  	[tilespmem:s28+$0xE0D0] =	vst v0  }
0x14a: {  	[tilespmem:s28+$0xE0E0] =	vst v0  }
0x14b: {  	_ =	swait.ge [sflag:s23], $0x7000  }
0x14c: {  	[sflag:s23] =	ssyncset.done $0x0  }
0x14d: {  	[sflag:s23] =	ssyncadd.s32 $0xFFFF9000  }
0x14e: {  	_ =	swait.ge [sflag:s23], $0x7000  }
0x14f: {  	[sflag:s23] =	ssyncset.done $0x0  }
0x150: {  	s28 =	simm.s32 $0x0;
	[sflag:s23] =	ssyncadd.s32 $0xFFFF9000  }
0x151: {  	v1 =	vld [tilespmem:s28+$0x7050]  }
0x152: {  	v3 =	vld [tilespmem:s28+$0x10]  }
0x153: {  	v2 =	vld [tilespmem:s28+$0x7030]  }
0x154: {  	v4 =	vld [tilespmem:s28+$0x7020]  }
0x155: {  	v7 =	vld [tilespmem:s28+$0x0]  }
0x156: {  	v8 =	vld [tilespmem:s28+$0x7010]  }
0x157: {  	v10 =	vld [tilespmem:s28+$0x7000]  }
0x158: {  	v6 =	vld [tilespmem:s28+$0x7040]  }
0x159: {  	v9 =	vld [tilespmem:s28+$0x30]  }
0x15a: {  	v5 =	vld [tilespmem:s28+$0x7060]  }
0x15b: {  	v11 =	vld [tilespmem:s28+$0x40]  }
0x15c: {  	v13 =	vld [tilespmem:s28+$0x20]  }
0x15d: {  	s29 =	simm.s32 $0x200;
	v12 =	vld [tilespmem:s28+$0x60]  }
.LBB2_16:
0x15e: {  	p0 =	sne.s32 s29, $0x1BE00;
	v14 =	vld [tilespmem:s28+$0x50];
	s28 =	smov.u32 s29;
	s29 =	sadd.s32 $0x200, s29  }
0x15f: {  	[tilespmem:v10+s24+$0x0] =	vst.idx.msk $0xffff, v7  }
0x160: {  	[tilespmem:v8+s24+$0x0] =	vst.idx.msk $0xffff, v3  }
0x161: {  	[tilespmem:v4+s24+$0x0] =	vst.idx.msk $0xffff, v13  }
0x162: {  	[tilespmem:v2+s24+$0x0] =	vst.idx.msk $0xffff, v9  }
0x163: {  	[tilespmem:v6+s24+$0x0] =	vst.idx.msk $0xffff, v11  }
0x164: {  	s28 =	sshra.s32 s28, $0x2;
	[tilespmem:v1+s24+$0x0] =	vst.idx.msk $0xffff, v14  }
0x165: {  	[tilespmem:v5+s24+$0x0] =	vst.idx.msk $0xffff, v12  }
0x166: {  	v1 =	vld [tilespmem:s28+$0x7050]  }
0x167: {  	v3 =	vld [tilespmem:s28+$0x10]  }
0x168: {  	v2 =	vld [tilespmem:s28+$0x7030]  }
0x169: {  	v4 =	vld [tilespmem:s28+$0x7020]  }
0x16a: {  	v7 =	vld [tilespmem:s28+$0x0]  }
0x16b: {  	v8 =	vld [tilespmem:s28+$0x7010]  }
0x16c: {  	v10 =	vld [tilespmem:s28+$0x7000]  }
0x16d: {  	v6 =	vld [tilespmem:s28+$0x7040]  }
.Ltmp7:
0x16e: {  	v9 =	vld [tilespmem:s28+$0x30];
	(pc) =	sbr.rel @p0 .LBB2_16-.Ltmp7, $4  }
0x16f: {  	v5 =	vld [tilespmem:s28+$0x7060]  }
0x170: {  	v11 =	vld [tilespmem:s28+$0x40]  }
0x171: {  	v13 =	vld [tilespmem:s28+$0x20]  }
0x172: {  	v12 =	vld [tilespmem:s28+$0x60]  }
0x173: {  	_ =	sdelay $0x3  }
0x174: {  	v14 =	vld [tilespmem:s28+$0x50];
	[tilespmem:v10+s24+$0x0] =	vst.idx.msk $0xffff, v7  }
0x175: {  	[tilespmem:v8+s24+$0x0] =	vst.idx.msk $0xffff, v3  }
0x176: {  	[tilespmem:v4+s24+$0x0] =	vst.idx.msk $0xffff, v13  }
0x177: {  	[tilespmem:v2+s24+$0x0] =	vst.idx.msk $0xffff, v9  }
0x178: {  	[tilespmem:v6+s24+$0x0] =	vst.idx.msk $0xffff, v11  }
0x179: {  	[tilespmem:v1+s24+$0x0] =	vst.idx.msk $0xffff, v14  }
0x17a: {  	s28 =	simm.s32 $0x0;
	[tilespmem:v5+s24+$0x0] =	vst.idx.msk $0xffff, v12  }
0x17b: {  	[hbm4b:s14+s28] =	stream.linear.scatter [tilespmem:s24], [sflag:$0x2], $0xC400, $0x38;
	[tilespmem:$0x1A400] =	vst v63  }
0x17c: {  	_ = 	snop  }
0x17d: {  	[tilespmem:s28], [sflag:$0x1] =	stream.linear.gather [hbm4b:s15+s28], $0x7000, $0x38;
	[tilespmem:$0x1A400] =	vst v63  }
0x17e: {  	_ = 	snop  }
0x17f: {  	[tilespmem:s22], [sflag:$0x1] =	stream.linear.gather [hbm4b:s16+s28], $0x7000, $0x38;
	[tilespmem:$0x1A400] =	vst v63  }
0x180: {  	_ =	swait.ge [sflag:s25], $0xC400  }
0x181: {  	[sflag:s25] =	ssyncset.done $0x0  }
0x182: {  	s29 =	simm.s32 $0x400;
	s28 =	simm.s32 $0x0;
	[sflag:s25] =	ssyncadd.s32 $0xFFFF3C00  }
.LBB2_18:
0x183: {  	p0 =	sne.s32 s29, $0x30C00;
	[tilespmem:s28+$0xE0F0] =	vst v0  }
0x184: {  	[tilespmem:s28+$0xE000] =	vst v0  }
0x185: {  	[tilespmem:s28+$0xE010] =	vst v0  }
0x186: {  	[tilespmem:s28+$0xE020] =	vst v0  }
0x187: {  	[tilespmem:s28+$0xE030] =	vst v0  }
0x188: {  	[tilespmem:s28+$0xE040] =	vst v0  }
0x189: {  	[tilespmem:s28+$0xE050] =	vst v0  }
0x18a: {  	[tilespmem:s28+$0xE060] =	vst v0  }
0x18b: {  	[tilespmem:s28+$0xE070] =	vst v0  }
0x18c: {  	[tilespmem:s28+$0xE080] =	vst v0  }
0x18d: {  	[tilespmem:s28+$0xE090] =	vst v0  }
.Ltmp8:
0x18e: {  	[tilespmem:s28+$0xE0A0] =	vst v0;
	(pc) =	sbr.rel @p0 .LBB2_18-.Ltmp8, $4  }
0x18f: {  	[tilespmem:s28+$0xE0B0] =	vst v0  }
0x190: {  	[tilespmem:s28+$0xE0C0] =	vst v0  }
0x191: {  	[tilespmem:s28+$0xE0D0] =	vst v0  }
0x192: {  	[tilespmem:s28+$0xE0E0] =	vst v0;
	s28 =	sshra.s32 s29, $0x2;
	s29 =	sadd.s32 $0x400, s29  }
0x193: {  	[tilespmem:s28+$0xE0F0] =	vst v0  }
0x194: {  	[tilespmem:s28+$0xE000] =	vst v0  }
0x195: {  	[tilespmem:s28+$0xE010] =	vst v0  }
0x196: {  	[tilespmem:s28+$0xE020] =	vst v0  }
0x197: {  	[tilespmem:s28+$0xE030] =	vst v0  }
0x198: {  	[tilespmem:s28+$0xE040] =	vst v0  }
0x199: {  	[tilespmem:s28+$0xE050] =	vst v0  }
0x19a: {  	[tilespmem:s28+$0xE060] =	vst v0  }
0x19b: {  	[tilespmem:s28+$0xE070] =	vst v0  }
0x19c: {  	[tilespmem:s28+$0xE080] =	vst v0  }
0x19d: {  	[tilespmem:s28+$0xE090] =	vst v0  }
0x19e: {  	[tilespmem:s28+$0xE0A0] =	vst v0  }
0x19f: {  	[tilespmem:s28+$0xE0B0] =	vst v0  }
0x1a0: {  	[tilespmem:s28+$0xE0C0] =	vst v0  }
0x1a1: {  	[tilespmem:s28+$0xE0D0] =	vst v0  }
0x1a2: {  	[tilespmem:s28+$0xE0E0] =	vst v0  }
0x1a3: {  	_ =	swait.ge [sflag:s23], $0x7000  }
0x1a4: {  	[sflag:s23] =	ssyncset.done $0x0  }
0x1a5: {  	[sflag:s23] =	ssyncadd.s32 $0xFFFF9000  }
0x1a6: {  	_ =	swait.ge [sflag:s23], $0x7000  }
0x1a7: {  	[sflag:s23] =	ssyncset.done $0x0  }
0x1a8: {  	s28 =	simm.s32 $0x0;
	[sflag:s23] =	ssyncadd.s32 $0xFFFF9000  }
0x1a9: {  	v1 =	vld [tilespmem:s28+$0x7050]  }
0x1aa: {  	v3 =	vld [tilespmem:s28+$0x10]  }
0x1ab: {  	v2 =	vld [tilespmem:s28+$0x7030]  }
0x1ac: {  	v4 =	vld [tilespmem:s28+$0x7020]  }
0x1ad: {  	v7 =	vld [tilespmem:s28+$0x0]  }
0x1ae: {  	v8 =	vld [tilespmem:s28+$0x7010]  }
0x1af: {  	v10 =	vld [tilespmem:s28+$0x7000]  }
0x1b0: {  	v6 =	vld [tilespmem:s28+$0x7040]  }
0x1b1: {  	v9 =	vld [tilespmem:s28+$0x30]  }
0x1b2: {  	v5 =	vld [tilespmem:s28+$0x7060]  }
0x1b3: {  	v11 =	vld [tilespmem:s28+$0x40]  }
0x1b4: {  	v13 =	vld [tilespmem:s28+$0x20]  }
0x1b5: {  	s29 =	simm.s32 $0x200;
	v12 =	vld [tilespmem:s28+$0x60]  }
.LBB2_20:
0x1b6: {  	p0 =	sne.s32 s29, $0x1BE00;
	v14 =	vld [tilespmem:s28+$0x50];
	s28 =	smov.u32 s29;
	s29 =	sadd.s32 $0x200, s29  }
0x1b7: {  	[tilespmem:v10+s24+$0x0] =	vst.idx.msk $0xffff, v7  }
0x1b8: {  	[tilespmem:v8+s24+$0x0] =	vst.idx.msk $0xffff, v3  }
0x1b9: {  	[tilespmem:v4+s24+$0x0] =	vst.idx.msk $0xffff, v13  }
0x1ba: {  	[tilespmem:v2+s24+$0x0] =	vst.idx.msk $0xffff, v9  }
0x1bb: {  	[tilespmem:v6+s24+$0x0] =	vst.idx.msk $0xffff, v11  }
0x1bc: {  	s28 =	sshra.s32 s28, $0x2;
	[tilespmem:v1+s24+$0x0] =	vst.idx.msk $0xffff, v14  }
0x1bd: {  	[tilespmem:v5+s24+$0x0] =	vst.idx.msk $0xffff, v12  }
0x1be: {  	v1 =	vld [tilespmem:s28+$0x7050]  }
0x1bf: {  	v3 =	vld [tilespmem:s28+$0x10]  }
0x1c0: {  	v2 =	vld [tilespmem:s28+$0x7030]  }
0x1c1: {  	v4 =	vld [tilespmem:s28+$0x7020]  }
0x1c2: {  	v7 =	vld [tilespmem:s28+$0x0]  }
0x1c3: {  	v8 =	vld [tilespmem:s28+$0x7010]  }
0x1c4: {  	v10 =	vld [tilespmem:s28+$0x7000]  }
0x1c5: {  	v6 =	vld [tilespmem:s28+$0x7040]  }
.Ltmp9:
0x1c6: {  	v9 =	vld [tilespmem:s28+$0x30];
	(pc) =	sbr.rel @p0 .LBB2_20-.Ltmp9, $4  }
0x1c7: {  	v5 =	vld [tilespmem:s28+$0x7060]  }
0x1c8: {  	v11 =	vld [tilespmem:s28+$0x40]  }
0x1c9: {  	v13 =	vld [tilespmem:s28+$0x20]  }
0x1ca: {  	v12 =	vld [tilespmem:s28+$0x60]  }
0x1cb: {  	_ =	sdelay $0x3  }
0x1cc: {  	v14 =	vld [tilespmem:s28+$0x50];
	[tilespmem:v10+s24+$0x0] =	vst.idx.msk $0xffff, v7  }
0x1cd: {  	[tilespmem:v8+s24+$0x0] =	vst.idx.msk $0xffff, v3  }
0x1ce: {  	[tilespmem:v4+s24+$0x0] =	vst.idx.msk $0xffff, v13  }
0x1cf: {  	[tilespmem:v2+s24+$0x0] =	vst.idx.msk $0xffff, v9  }
0x1d0: {  	[tilespmem:v6+s24+$0x0] =	vst.idx.msk $0xffff, v11  }
0x1d1: {  	[tilespmem:v1+s24+$0x0] =	vst.idx.msk $0xffff, v14  }
0x1d2: {  	s28 =	simm.s32 $0x0;
	[tilespmem:v5+s24+$0x0] =	vst.idx.msk $0xffff, v12  }
0x1d3: {  	[hbm4b:s17+s28] =	stream.linear.scatter [tilespmem:s24], [sflag:$0x2], $0xC400, $0x38;
	[tilespmem:$0x1A400] =	vst v63  }
0x1d4: {  	_ = 	snop  }
0x1d5: {  	[tilespmem:s28], [sflag:$0x1] =	stream.linear.gather [hbm4b:s18+s28], $0x7000, $0x38;
	[tilespmem:$0x1A400] =	vst v63  }
0x1d6: {  	_ = 	snop  }
0x1d7: {  	[tilespmem:s22], [sflag:$0x1] =	stream.linear.gather [hbm4b:s19+s28], $0x7000, $0x38;
	[tilespmem:$0x1A400] =	vst v63  }
0x1d8: {  	_ =	swait.ge [sflag:s25], $0xC400  }
0x1d9: {  	[sflag:s25] =	ssyncset.done $0x0  }
0x1da: {  	s29 =	simm.s32 $0x400;
	s28 =	simm.s32 $0x0;
	[sflag:s25] =	ssyncadd.s32 $0xFFFF3C00  }
.LBB2_22:
0x1db: {  	p0 =	sne.s32 s29, $0x30C00;
	[tilespmem:s28+$0xE0F0] =	vst v0  }
0x1dc: {  	[tilespmem:s28+$0xE000] =	vst v0  }
0x1dd: {  	[tilespmem:s28+$0xE010] =	vst v0  }
0x1de: {  	[tilespmem:s28+$0xE020] =	vst v0  }
0x1df: {  	[tilespmem:s28+$0xE030] =	vst v0  }
0x1e0: {  	[tilespmem:s28+$0xE040] =	vst v0  }
0x1e1: {  	[tilespmem:s28+$0xE050] =	vst v0  }
0x1e2: {  	[tilespmem:s28+$0xE060] =	vst v0  }
0x1e3: {  	[tilespmem:s28+$0xE070] =	vst v0  }
0x1e4: {  	[tilespmem:s28+$0xE080] =	vst v0  }
0x1e5: {  	[tilespmem:s28+$0xE090] =	vst v0  }
.Ltmp10:
0x1e6: {  	[tilespmem:s28+$0xE0A0] =	vst v0;
	(pc) =	sbr.rel @p0 .LBB2_22-.Ltmp10, $4  }
0x1e7: {  	[tilespmem:s28+$0xE0B0] =	vst v0  }
0x1e8: {  	[tilespmem:s28+$0xE0C0] =	vst v0  }
0x1e9: {  	[tilespmem:s28+$0xE0D0] =	vst v0  }
0x1ea: {  	[tilespmem:s28+$0xE0E0] =	vst v0;
	s28 =	sshra.s32 s29, $0x2;
	s29 =	sadd.s32 $0x400, s29  }
0x1eb: {  	[tilespmem:s28+$0xE0F0] =	vst v0  }
0x1ec: {  	[tilespmem:s28+$0xE000] =	vst v0  }
0x1ed: {  	[tilespmem:s28+$0xE010] =	vst v0  }
0x1ee: {  	[tilespmem:s28+$0xE020] =	vst v0  }
0x1ef: {  	[tilespmem:s28+$0xE030] =	vst v0  }
0x1f0: {  	[tilespmem:s28+$0xE040] =	vst v0  }
0x1f1: {  	[tilespmem:s28+$0xE050] =	vst v0  }
0x1f2: {  	[tilespmem:s28+$0xE060] =	vst v0  }
0x1f3: {  	[tilespmem:s28+$0xE070] =	vst v0  }
0x1f4: {  	[tilespmem:s28+$0xE080] =	vst v0  }
0x1f5: {  	[tilespmem:s28+$0xE090] =	vst v0  }
0x1f6: {  	[tilespmem:s28+$0xE0A0] =	vst v0  }
0x1f7: {  	[tilespmem:s28+$0xE0B0] =	vst v0  }
0x1f8: {  	[tilespmem:s28+$0xE0C0] =	vst v0  }
0x1f9: {  	[tilespmem:s28+$0xE0D0] =	vst v0  }
0x1fa: {  	[tilespmem:s28+$0xE0E0] =	vst v0  }
0x1fb: {  	_ =	swait.ge [sflag:s23], $0x7000  }
0x1fc: {  	[sflag:s23] =	ssyncset.done $0x0  }
0x1fd: {  	[sflag:s23] =	ssyncadd.s32 $0xFFFF9000  }
0x1fe: {  	_ =	swait.ge [sflag:s23], $0x7000  }
0x1ff: {  	[sflag:s23] =	ssyncset.done $0x0  }
0x200: {  	s28 =	simm.s32 $0x0;
	[sflag:s23] =	ssyncadd.s32 $0xFFFF9000  }
0x201: {  	v1 =	vld [tilespmem:s28+$0x7050]  }
0x202: {  	v3 =	vld [tilespmem:s28+$0x10]  }
0x203: {  	v2 =	vld [tilespmem:s28+$0x7030]  }
0x204: {  	v4 =	vld [tilespmem:s28+$0x7020]  }
0x205: {  	v7 =	vld [tilespmem:s28+$0x0]  }
0x206: {  	v8 =	vld [tilespmem:s28+$0x7010]  }
0x207: {  	v10 =	vld [tilespmem:s28+$0x7000]  }
0x208: {  	v6 =	vld [tilespmem:s28+$0x7040]  }
0x209: {  	v9 =	vld [tilespmem:s28+$0x30]  }
0x20a: {  	v5 =	vld [tilespmem:s28+$0x7060]  }
0x20b: {  	v11 =	vld [tilespmem:s28+$0x40]  }
0x20c: {  	v13 =	vld [tilespmem:s28+$0x20]  }
0x20d: {  	s29 =	simm.s32 $0x200;
	v12 =	vld [tilespmem:s28+$0x60]  }
.LBB2_24:
0x20e: {  	p0 =	sne.s32 s29, $0x1BE00;
	v14 =	vld [tilespmem:s28+$0x50];
	s28 =	smov.u32 s29;
	s29 =	sadd.s32 $0x200, s29  }
0x20f: {  	[tilespmem:v10+s24+$0x0] =	vst.idx.msk $0xffff, v7  }
0x210: {  	[tilespmem:v8+s24+$0x0] =	vst.idx.msk $0xffff, v3  }
0x211: {  	[tilespmem:v4+s24+$0x0] =	vst.idx.msk $0xffff, v13  }
0x212: {  	[tilespmem:v2+s24+$0x0] =	vst.idx.msk $0xffff, v9  }
0x213: {  	[tilespmem:v6+s24+$0x0] =	vst.idx.msk $0xffff, v11  }
0x214: {  	s28 =	sshra.s32 s28, $0x2;
	[tilespmem:v1+s24+$0x0] =	vst.idx.msk $0xffff, v14  }
0x215: {  	[tilespmem:v5+s24+$0x0] =	vst.idx.msk $0xffff, v12  }
0x216: {  	v1 =	vld [tilespmem:s28+$0x7050]  }
0x217: {  	v3 =	vld [tilespmem:s28+$0x10]  }
0x218: {  	v2 =	vld [tilespmem:s28+$0x7030]  }
0x219: {  	v4 =	vld [tilespmem:s28+$0x7020]  }
0x21a: {  	v7 =	vld [tilespmem:s28+$0x0]  }
0x21b: {  	v8 =	vld [tilespmem:s28+$0x7010]  }
0x21c: {  	v10 =	vld [tilespmem:s28+$0x7000]  }
0x21d: {  	v6 =	vld [tilespmem:s28+$0x7040]  }
.Ltmp11:
0x21e: {  	v9 =	vld [tilespmem:s28+$0x30];
	(pc) =	sbr.rel @p0 .LBB2_24-.Ltmp11, $4  }
0x21f: {  	v5 =	vld [tilespmem:s28+$0x7060]  }
0x220: {  	v11 =	vld [tilespmem:s28+$0x40]  }
0x221: {  	v13 =	vld [tilespmem:s28+$0x20]  }
0x222: {  	v12 =	vld [tilespmem:s28+$0x60]  }
0x223: {  	_ =	sdelay $0x3  }
0x224: {  	v14 =	vld [tilespmem:s28+$0x50];
	[tilespmem:v10+s24+$0x0] =	vst.idx.msk $0xffff, v7  }
0x225: {  	[tilespmem:v8+s24+$0x0] =	vst.idx.msk $0xffff, v3  }
0x226: {  	[tilespmem:v4+s24+$0x0] =	vst.idx.msk $0xffff, v13  }
0x227: {  	[tilespmem:v2+s24+$0x0] =	vst.idx.msk $0xffff, v9  }
0x228: {  	s26 =	sadd.s32 $0x1, s26;
	[tilespmem:v6+s24+$0x0] =	vst.idx.msk $0xffff, v11  }
0x229: {  	p0 =	sne.s32 s26, s21;
	[tilespmem:v1+s24+$0x0] =	vst.idx.msk $0xffff, v14  }
.Ltmp12:
0x22a: {  	[tilespmem:v5+s24+$0x0] =	vst.idx.msk $0xffff, v12;
	(pc) =	sbr.rel @p0 .LBB2_1-.Ltmp12, $4  }
0x22b: {  	[hbm4b:s20+s2] =	stream.linear.scatter [tilespmem:s24], [sflag:$0x2], $0xC400, $0x38;
	[tilespmem:$0x1A400] =	vst v63  }
0x22c: {  	_ =	swait.ge [sflag:s25], $0xC400  }
0x22d: {  	[sflag:s25] =	ssyncset.done $0x0  }
0x22e: {  	[sflag:s25] =	ssyncadd.s32 $0xFFFF3C00  }
0x22f: {  	_ =	sfence.sel $0x180000  }
0x230: {  	[bflag:$0x0] =	sbarrier.arrive $0xFFFF  }
0x231: {  	p0 =	sne.s32 s0, $0x0;
	_ =	strace $0x90000047  }
0x232: {  	s0 =	sadd.s32 @!p0 $0x100000, s1;
	[bflag:$0x2] =	sbarrier.arrive $0xFFFF  }
0x233: {  	[sflag:s0] =	ssyncadd.tile.s32 @!p0 $0x1;
	_ =	shalt  }
.Lfunc_end2:
_tile_overlayer_lowered:
.L_overlay_start_2:
0x234: {  	(tag) =	ssettag $0x2  }
0x235: {  	s0 =	rddreg [dreg:$0x0];
	s2 =	stileid.u32  }
0x236: {  	s1 =	rddreg [dreg:$0x1];
	p0 =	sne.s32 s2, $0x0  }
0x237: {  	s3 =	rddreg [dreg:$0x2];
	[bflag:$0x3] =	sbarrier.arrive $0xFFFF;
	s2 =	simm.s32 @!p0 $0x1C03  }
0x238: {  	[timem:s3], [sflag:s2] =	dma.local @!p0 [hbm:s0], s1  }
0x239: {  	s0 =	simm.s32 @!p0 $0x3  }
0x23a: {  	_ =	swait.ge @!p0 [sflag:s0], s1  }
0x23b: {  	s1 =	ssub.s32 @!p0 $0x0, s1;
	[sflag:s0] =	ssyncset.done @!p0 $0x0  }
0x23c: {  	[sflag:s0] =	ssyncadd.s32 @!p0 s1  }
0x23d: {  	[bflag:$0x3] =	sbarrier.arrive $0xFFFF  }
0x23e: {  	_ =	shalt  }

</sc_bundles>
